<compile_context>
chip_gen: v7x
topology: tpu7x:2x2x1
jax: 0.10.2.dev20260603
libtpu: 0.0.44.dev20260713+nightly
codegen_flags: <defaults>
</compile_context>

<pallas_src>
import functools

import jax
import jax.numpy as jnp
from jax import lax
from jax.experimental import pallas as pl
from jax.experimental.pallas import tpu as pltpu
from jax.experimental.pallas import tpu_sc as plsc

NC = 2
NS = 16
NW = NC * NS
LANES = 16


def _word_context_sum(word_table, flat_ids, seg_ids, B, L, D, GB=128):
    per_w = B // NW
    ids_per_w = per_w * L
    n_b = ids_per_w // GB
    mesh = plsc.VectorSubcoreMesh(core_axis_name="c", subcore_axis_name="s")

    @functools.partial(
        pl.kernel,
        out_type=jax.ShapeDtypeStruct((B, D), jnp.float32),
        mesh=mesh,
        compiler_params=pltpu.CompilerParams(use_tc_tiling_on_sc=False),
        scratch_types=[
            pltpu.VMEM((ids_per_w,), jnp.int32),
            pltpu.VMEM((n_b, GB), jnp.int32),
            pltpu.VMEM((GB, D), jnp.float32),
            pltpu.VMEM((per_w, D), jnp.float32),
            pltpu.VMEM_SHARED((NS * per_w, D), jnp.float32),
        ],
    )
    def k(tbl_hbm, ids_hbm, seg_hbm, out_hbm, ids_v, seg_v, rows_v, zero_v,
          acc_sh):
        c = lax.axis_index("c")
        s_idx = lax.axis_index("s")
        wid = s_idx * NC + c
        base_b = wid * per_w
        local_base = s_idx * per_w
        pltpu.sync_copy(ids_hbm.at[pl.ds(base_b * L, ids_per_w)], ids_v)
        pltpu.sync_copy(seg_hbm, seg_v)

        off = jnp.full((LANES,), local_base, jnp.int32)

        @pl.loop(0, n_b)
        def _(t):
            for j in range(GB // LANES):
                sl = pl.ds(j * LANES, LANES)
                seg_v.at[t, sl][...] = seg_v.at[t, sl][...] + off

        @pl.loop(0, per_w)
        def _(i):
            for j in range(D // LANES):
                zero_v.at[i, pl.ds(j * LANES, LANES)][...] = jnp.zeros(
                    (LANES,), jnp.float32)

        pltpu.sync_copy(zero_v, acc_sh.at[pl.ds(local_base, per_w)])

        @pl.loop(0, n_b)
        def _(t):
            pltpu.sync_copy(
                tbl_hbm.at[ids_v.at[pl.ds(t * GB, GB)]], rows_v)
            pltpu.sync_copy(rows_v, acc_sh.at[seg_v.at[t]], add=True)

        pltpu.sync_copy(acc_sh.at[pl.ds(local_base, per_w)],
                        out_hbm.at[pl.ds(base_b, per_w)])

    return k(word_table, flat_ids, seg_ids)


def _ent_gather(ent_table, flat_ids, N, D, GB=128):
    per_w = N // NW
    n_b = per_w // GB
    mesh = plsc.VectorSubcoreMesh(core_axis_name="c", subcore_axis_name="s")

    @functools.partial(
        pl.kernel,
        out_type=jax.ShapeDtypeStruct((N, D), jnp.float32),
        mesh=mesh,
        compiler_params=pltpu.CompilerParams(use_tc_tiling_on_sc=False),
        scratch_types=[
            pltpu.VMEM((per_w,), jnp.int32),
            pltpu.VMEM((GB, D), jnp.float32),
        ],
    )
    def k(tbl_hbm, ids_hbm, out_hbm, ids_v, rows_v):
        wid = lax.axis_index("s") * NC + lax.axis_index("c")
        base = wid * per_w
        pltpu.sync_copy(ids_hbm.at[pl.ds(base, per_w)], ids_v)

        @pl.loop(0, n_b)
        def _(t):
            pltpu.sync_copy(
                tbl_hbm.at[ids_v.at[pl.ds(t * GB, GB)]], rows_v)
            pltpu.sync_copy(rows_v, out_hbm.at[pl.ds(base + t * GB, GB)])

    return k(ent_table, flat_ids)


def _tc_scores(ctx_sum, Wt_scaled, bias, ent_rows, B, C, D, blk=256):
    grid = (B // blk,)

    def body(m_ref, wt_ref, b_ref, ent_ref, out_ref):
        ctx = jnp.dot(m_ref[...], wt_ref[...],
                      preferred_element_type=jnp.float32) + b_ref[...]
        cand = ent_ref[...].reshape(blk, C, D)
        out_ref[...] = jnp.sum(cand * ctx[:, None, :], axis=-1)

    return pl.pallas_call(
        body,
        grid=grid,
        in_specs=[
            pl.BlockSpec((blk, D), lambda i: (i, 0)),
            pl.BlockSpec((D, D), lambda i: (0, 0)),
            pl.BlockSpec((1, D), lambda i: (0, 0)),
            pl.BlockSpec((blk, C * D), lambda i: (i, 0)),
        ],
        out_specs=pl.BlockSpec((blk, C), lambda i: (i, 0)),
        out_shape=jax.ShapeDtypeStruct((B, C), jnp.float32),
    )(ctx_sum, Wt_scaled, bias, ent_rows.reshape(B, C * D))


def kernel(word_table, ent_table, W, b, context_ids, cand_ids):
    B, L = context_ids.shape
    _, C = cand_ids.shape
    D = word_table.shape[1]

    flat_ctx = context_ids.reshape(-1).astype(jnp.int32)
    flat_cand = cand_ids.reshape(-1).astype(jnp.int32)
    ids_per_w = (B // NW) * L
    seg_ids = (jnp.arange(ids_per_w, dtype=jnp.int32) // L).reshape(
        ids_per_w // 128, 128)

    ctx_sum = _word_context_sum(word_table, flat_ctx, seg_ids, B, L, D)
    ent_rows = _ent_gather(ent_table, flat_cand, B * C, D)

    Wt_scaled = (W.T / L).astype(jnp.float32)
    bias = b.reshape(1, D).astype(jnp.float32)
    return _tc_scores(ctx_sum, Wt_scaled, bias, ent_rows, B, C, D)

# --- scband reference (transcript-rebuilt; emitter-appended) ---
"""Pipeline reference for scband-yamada-base-79834852098230 (READ-ONLY COPY).

The authoritative reference and input builder live on the scoring server;
editing this copy changes nothing except your own understanding.
"""

import jax, jax.numpy as jnp
import numpy as np

WORD_VOCAB = 100000
ENT_VOCAB = 1000000
EMB_DIM = 64
B = 4096
L = 50
C = 26


def setup_inputs(seed: int = 0) -> dict:
    key = jax.random.key(seed)
    k1, k2, k3, k4, k5, k6 = jax.random.split(key, 6)
    word_table = jax.random.normal(k1, (WORD_VOCAB, EMB_DIM), dtype=jnp.float32) * 0.02
    ent_table = jax.random.normal(k2, (ENT_VOCAB, EMB_DIM), dtype=jnp.float32) * 0.02
    # padding_idx=0 -> zero row
    word_table = word_table.at[0].set(0.0)
    ent_table = ent_table.at[0].set(0.0)
    W = jax.random.normal(k3, (EMB_DIM, EMB_DIM), dtype=jnp.float32) * (1.0 / np.sqrt(EMB_DIM))
    b = jnp.zeros((EMB_DIM,), dtype=jnp.float32)
    context_ids = jax.random.randint(k4, (B, L), 0, WORD_VOCAB, dtype=jnp.int64 if jax.config.jax_enable_x64 else jnp.int32)
    cand_ids = jax.random.randint(k5, (B, C), 0, ENT_VOCAB, dtype=jnp.int64 if jax.config.jax_enable_x64 else jnp.int32)
    return {"word_table": word_table, "ent_table": ent_table, "W": W, "b": b,
            "context_ids": context_ids, "cand_ids": cand_ids}


def reference(word_table, ent_table, W, b, context_ids, cand_ids):
    # Yamada-style forward: mean-pooled context word embeddings -> linear map
    # into entity space -> dot-product scores against candidate entity embeddings.
    ctx = jnp.take(word_table, context_ids, axis=0)          # [B, L, d]
    ctx = ctx.mean(axis=1)                                    # [B, d]
    ctx = ctx @ W.T + b                                       # orig_linear, [B, d]
    # dropout is identity in eval mode
    cand = jnp.take(ent_table, cand_ids, axis=0)              # [B, C, d]
    scores = jnp.einsum('bcd,bd->bc', cand, ctx)              # [B, C]
    return scores

if __name__ == "__main__":
    import jax
    _d = setup_inputs()
    print(jax.jit(kernel)(*tuple(_d.values())))

</pallas_src>

<mosaic_0001>
#map = affine_map<(d0, d1) -> (0, 0)>
#map1 = affine_map<(d0, d1) -> (0)>
module attributes {stable_mosaic.version = 14 : i64} {
  func.func @k(%arg0: i32, %arg1: i32, %arg2: memref<100000x64xf32, #tpu.memory_space<hbm>>, %arg3: memref<204800xi32, #tpu.memory_space<hbm>>, %arg4: memref<50x128xi32, #tpu.memory_space<hbm>>, %arg5: memref<4096x64xf32, #tpu.memory_space<hbm>>, %arg6: memref<6400xi32, #tpu.memory_space<vmem>>, %arg7: memref<50x128xi32, #tpu.memory_space<vmem>>, %arg8: memref<128x64xf32, #tpu.memory_space<vmem>>, %arg9: memref<128x64xf32, #tpu.memory_space<vmem>>, %arg10: memref<2048x64xf32, #tpu.memory_space<vmem_shared>>) attributes {dimension_semantics = [#tpu.dimension_semantics<core_parallel>, #tpu.dimension_semantics<subcore_parallel>], iteration_bounds = array<i64: 2, 16>, scalar_prefetch = 0 : i64, scratch_operands = 5 : i64, tpu.core_type = #tpu.core_type<sc_vector_subcore>, window_params = [{transform_indices = #map}, {transform_indices = #map1}, {transform_indices = #map}, {transform_indices = #map}]} {
    %mul3A = arith.constant 2 : i32
    %mul3A_0 = arith.muli %arg1, %mul3A : i32
    %add3A = arith.addi %mul3A_0, %arg0 : i32
    %mul3A_1 = arith.constant 128 : i32
    %mul3A_2 = arith.muli %add3A, %mul3A_1 : i32
    %mul3A_3 = arith.constant 128 : i32
    %mul3A_4 = arith.muli %arg1, %mul3A_3 : i32
    %mul3A_5 = arith.constant 50 : i32
    %mul3A_6 = arith.muli %mul3A_2, %mul3A_5 : i32
    "tpu.region"() ({
      %run_scoped3A = tpu.sem_alloc : memref<!tpu.dma_semaphore, #tpu.memory_space<semaphore_mem>>
      %dma_start3A = tpu.memref_slice %arg3[%mul3A_6] : memref<204800xi32, #tpu.memory_space<hbm>> -> memref<6400xi32, #tpu.memory_space<hbm>>
      %dma_start3A_21 = tpu.memref_slice %arg3[%mul3A_6] : memref<204800xi32, #tpu.memory_space<hbm>> -> memref<6400xi32, #tpu.memory_space<hbm>>
      tpu.enqueue_dma source(%dma_start3A_21 : memref<6400xi32, #tpu.memory_space<hbm>>) target(%arg6 : memref<6400xi32, #tpu.memory_space<vmem>>) target_semaphore(%run_scoped3A : memref<!tpu.dma_semaphore, #tpu.memory_space<semaphore_mem>>)
      %dma_wait3A = tpu.memref_slice %arg3[%mul3A_6] : memref<204800xi32, #tpu.memory_space<hbm>> -> memref<6400xi32, #tpu.memory_space<hbm>>
      %dma_wait3A_22 = tpu.memref_slice %arg3[%mul3A_6] : memref<204800xi32, #tpu.memory_space<hbm>> -> memref<6400xi32, #tpu.memory_space<hbm>>
      tpu.wait_dma2 semaphore(%run_scoped3A : memref<!tpu.dma_semaphore, #tpu.memory_space<semaphore_mem>>) src(%dma_wait3A_22 : memref<6400xi32, #tpu.memory_space<hbm>>) dst(%arg6 : memref<6400xi32, #tpu.memory_space<vmem>>)
      tpu.yield
    }) : () -> ()
    "tpu.region"() ({
      %run_scoped3A = tpu.sem_alloc : memref<!tpu.dma_semaphore, #tpu.memory_space<semaphore_mem>>
      tpu.enqueue_dma source(%arg4 : memref<50x128xi32, #tpu.memory_space<hbm>>) target(%arg7 : memref<50x128xi32, #tpu.memory_space<vmem>>) target_semaphore(%run_scoped3A : memref<!tpu.dma_semaphore, #tpu.memory_space<semaphore_mem>>)
      tpu.wait_dma2 semaphore(%run_scoped3A : memref<!tpu.dma_semaphore, #tpu.memory_space<semaphore_mem>>) src(%arg4 : memref<50x128xi32, #tpu.memory_space<hbm>>) dst(%arg7 : memref<50x128xi32, #tpu.memory_space<vmem>>)
      tpu.yield
    }) : () -> ()
    %broadcast_in_dim3A = vector.broadcast %mul3A_4 : i32 to vector<16xi32>
    %scan3A = arith.constant 0 : i32
    %scan3A_7 = arith.constant 50 : i32
    %scan3A_8 = arith.addi %scan3A, %scan3A_7 : i32
    %scan3A_9 = arith.constant 1 : i32
    scf.for %scan3A_21 = %scan3A to %scan3A_8 step %scan3A_9  : i32 {
      %mul3A_22 = arith.constant 1 : i32
      %mul3A_23 = arith.muli %scan3A_21, %mul3A_22 : i32
      %add3A_24 = arith.constant 0 : i32
      %add3A_25 = arith.addi %add3A_24, %mul3A_23 : i32
      %get3A = arith.index_cast %add3A_25 : i32 to index
      %get3A_26 = arith.constant 0 : index
      %get3A_27 = tpu.vector_load %arg7[%get3A, %get3A_26] {strides = array<i32>} : memref<50x128xi32, #tpu.memory_space<vmem>>, vector<1x16xi32>,
      %get3A_28 = vector.shape_cast %get3A_27 : vector<1x16xi32> to vector<16xi32>
      %add3A_29 = arith.addi %get3A_28, %broadcast_in_dim3A : vector<16xi32>
      %swap3A = arith.index_cast %add3A_25 : i32 to index
      %swap3A_30 = arith.constant 0 : index
      %swap3A_31 = tpu.vector_load %arg7[%swap3A, %swap3A_30] {strides = array<i32>} : memref<50x128xi32, #tpu.memory_space<vmem>>, vector<1x16xi32>,
      %swap3A_32 = vector.shape_cast %swap3A_31 : vector<1x16xi32> to vector<16xi32>
      %swap3A_33 = vector.shape_cast %add3A_29 : vector<16xi32> to vector<1x16xi32>
      tpu.vector_store %arg7[%swap3A, %swap3A_30], %swap3A_33 {strides = array<i32>} : memref<50x128xi32, #tpu.memory_space<vmem>>, vector<1x16xi32>,
      %get3A_34 = arith.index_cast %add3A_25 : i32 to index
      %get3A_35 = arith.constant 16 : index
      %get3A_36 = tpu.vector_load %arg7[%get3A_34, %get3A_35] {strides = array<i32>} : memref<50x128xi32, #tpu.memory_space<vmem>>, vector<1x16xi32>,
      %get3A_37 = vector.shape_cast %get3A_36 : vector<1x16xi32> to vector<16xi32>
      %add3A_38 = arith.addi %get3A_37, %broadcast_in_dim3A : vector<16xi32>
      %swap3A_39 = arith.index_cast %add3A_25 : i32 to index
      %swap3A_40 = arith.constant 16 : index
      %swap3A_41 = tpu.vector_load %arg7[%swap3A_39, %swap3A_40] {strides = array<i32>} : memref<50x128xi32, #tpu.memory_space<vmem>>, vector<1x16xi32>,
      %swap3A_42 = vector.shape_cast %swap3A_41 : vector<1x16xi32> to vector<16xi32>
      %swap3A_43 = vector.shape_cast %add3A_38 : vector<16xi32> to vector<1x16xi32>
      tpu.vector_store %arg7[%swap3A_39, %swap3A_40], %swap3A_43 {strides = array<i32>} : memref<50x128xi32, #tpu.memory_space<vmem>>, vector<1x16xi32>,
      %get3A_44 = arith.index_cast %add3A_25 : i32 to index
      %get3A_45 = arith.constant 32 : index
      %get3A_46 = tpu.vector_load %arg7[%get3A_44, %get3A_45] {strides = array<i32>} : memref<50x128xi32, #tpu.memory_space<vmem>>, vector<1x16xi32>,
      %get3A_47 = vector.shape_cast %get3A_46 : vector<1x16xi32> to vector<16xi32>
      %add3A_48 = arith.addi %get3A_47, %broadcast_in_dim3A : vector<16xi32>
      %swap3A_49 = arith.index_cast %add3A_25 : i32 to index
      %swap3A_50 = arith.constant 32 : index
      %swap3A_51 = tpu.vector_load %arg7[%swap3A_49, %swap3A_50] {strides = array<i32>} : memref<50x128xi32, #tpu.memory_space<vmem>>, vector<1x16xi32>,
      %swap3A_52 = vector.shape_cast %swap3A_51 : vector<1x16xi32> to vector<16xi32>
      %swap3A_53 = vector.shape_cast %add3A_48 : vector<16xi32> to vector<1x16xi32>
      tpu.vector_store %arg7[%swap3A_49, %swap3A_50], %swap3A_53 {strides = array<i32>} : memref<50x128xi32, #tpu.memory_space<vmem>>, vector<1x16xi32>,
      %get3A_54 = arith.index_cast %add3A_25 : i32 to index
      %get3A_55 = arith.constant 48 : index
      %get3A_56 = tpu.vector_load %arg7[%get3A_54, %get3A_55] {strides = array<i32>} : memref<50x128xi32, #tpu.memory_space<vmem>>, vector<1x16xi32>,
      %get3A_57 = vector.shape_cast %get3A_56 : vector<1x16xi32> to vector<16xi32>
      %add3A_58 = arith.addi %get3A_57, %broadcast_in_dim3A : vector<16xi32>
      %swap3A_59 = arith.index_cast %add3A_25 : i32 to index
      %swap3A_60 = arith.constant 48 : index
      %swap3A_61 = tpu.vector_load %arg7[%swap3A_59, %swap3A_60] {strides = array<i32>} : memref<50x128xi32, #tpu.memory_space<vmem>>, vector<1x16xi32>,
      %swap3A_62 = vector.shape_cast %swap3A_61 : vector<1x16xi32> to vector<16xi32>
      %swap3A_63 = vector.shape_cast %add3A_58 : vector<16xi32> to vector<1x16xi32>
      tpu.vector_store %arg7[%swap3A_59, %swap3A_60], %swap3A_63 {strides = array<i32>} : memref<50x128xi32, #tpu.memory_space<vmem>>, vector<1x16xi32>,
      %get3A_64 = arith.index_cast %add3A_25 : i32 to index
      %get3A_65 = arith.constant 64 : index
      %get3A_66 = tpu.vector_load %arg7[%get3A_64, %get3A_65] {strides = array<i32>} : memref<50x128xi32, #tpu.memory_space<vmem>>, vector<1x16xi32>,
      %get3A_67 = vector.shape_cast %get3A_66 : vector<1x16xi32> to vector<16xi32>
      %add3A_68 = arith.addi %get3A_67, %broadcast_in_dim3A : vector<16xi32>
      %swap3A_69 = arith.index_cast %add3A_25 : i32 to index
      %swap3A_70 = arith.constant 64 : index
      %swap3A_71 = tpu.vector_load %arg7[%swap3A_69, %swap3A_70] {strides = array<i32>} : memref<50x128xi32, #tpu.memory_space<vmem>>, vector<1x16xi32>,
      %swap3A_72 = vector.shape_cast %swap3A_71 : vector<1x16xi32> to vector<16xi32>
      %swap3A_73 = vector.shape_cast %add3A_68 : vector<16xi32> to vector<1x16xi32>
      tpu.vector_store %arg7[%swap3A_69, %swap3A_70], %swap3A_73 {strides = array<i32>} : memref<50x128xi32, #tpu.memory_space<vmem>>, vector<1x16xi32>,
      %get3A_74 = arith.index_cast %add3A_25 : i32 to index
      %get3A_75 = arith.constant 80 : index
      %get3A_76 = tpu.vector_load %arg7[%get3A_74, %get3A_75] {strides = array<i32>} : memref<50x128xi32, #tpu.memory_space<vmem>>, vector<1x16xi32>,
      %get3A_77 = vector.shape_cast %get3A_76 : vector<1x16xi32> to vector<16xi32>
      %add3A_78 = arith.addi %get3A_77, %broadcast_in_dim3A : vector<16xi32>
      %swap3A_79 = arith.index_cast %add3A_25 : i32 to index
      %swap3A_80 = arith.constant 80 : index
      %swap3A_81 = tpu.vector_load %arg7[%swap3A_79, %swap3A_80] {strides = array<i32>} : memref<50x128xi32, #tpu.memory_space<vmem>>, vector<1x16xi32>,
      %swap3A_82 = vector.shape_cast %swap3A_81 : vector<1x16xi32> to vector<16xi32>
      %swap3A_83 = vector.shape_cast %add3A_78 : vector<16xi32> to vector<1x16xi32>
      tpu.vector_store %arg7[%swap3A_79, %swap3A_80], %swap3A_83 {strides = array<i32>} : memref<50x128xi32, #tpu.memory_space<vmem>>, vector<1x16xi32>,
      %get3A_84 = arith.index_cast %add3A_25 : i32 to index
      %get3A_85 = arith.constant 96 : index
      %get3A_86 = tpu.vector_load %arg7[%get3A_84, %get3A_85] {strides = array<i32>} : memref<50x128xi32, #tpu.memory_space<vmem>>, vector<1x16xi32>,
      %get3A_87 = vector.shape_cast %get3A_86 : vector<1x16xi32> to vector<16xi32>
      %add3A_88 = arith.addi %get3A_87, %broadcast_in_dim3A : vector<16xi32>
      %swap3A_89 = arith.index_cast %add3A_25 : i32 to index
      %swap3A_90 = arith.constant 96 : index
      %swap3A_91 = tpu.vector_load %arg7[%swap3A_89, %swap3A_90] {strides = array<i32>} : memref<50x128xi32, #tpu.memory_space<vmem>>, vector<1x16xi32>,
      %swap3A_92 = vector.shape_cast %swap3A_91 : vector<1x16xi32> to vector<16xi32>
      %swap3A_93 = vector.shape_cast %add3A_88 : vector<16xi32> to vector<1x16xi32>
      tpu.vector_store %arg7[%swap3A_89, %swap3A_90], %swap3A_93 {strides = array<i32>} : memref<50x128xi32, #tpu.memory_space<vmem>>, vector<1x16xi32>,
      %get3A_94 = arith.index_cast %add3A_25 : i32 to index
      %get3A_95 = arith.constant 112 : index
      %get3A_96 = tpu.vector_load %arg7[%get3A_94, %get3A_95] {strides = array<i32>} : memref<50x128xi32, #tpu.memory_space<vmem>>, vector<1x16xi32>,
      %get3A_97 = vector.shape_cast %get3A_96 : vector<1x16xi32> to vector<16xi32>
      %add3A_98 = arith.addi %get3A_97, %broadcast_in_dim3A : vector<16xi32>
      %swap3A_99 = arith.index_cast %add3A_25 : i32 to index
      %swap3A_100 = arith.constant 112 : index
      %swap3A_101 = tpu.vector_load %arg7[%swap3A_99, %swap3A_100] {strides = array<i32>} : memref<50x128xi32, #tpu.memory_space<vmem>>, vector<1x16xi32>,
      %swap3A_102 = vector.shape_cast %swap3A_101 : vector<1x16xi32> to vector<16xi32>
      %swap3A_103 = vector.shape_cast %add3A_98 : vector<16xi32> to vector<1x16xi32>
      tpu.vector_store %arg7[%swap3A_99, %swap3A_100], %swap3A_103 {strides = array<i32>} : memref<50x128xi32, #tpu.memory_space<vmem>>, vector<1x16xi32>,
    }
    %scan3A_10 = arith.constant 50 : i32
    %scan3A_11 = arith.constant 0 : i32
    %scan3A_12 = arith.constant 128 : i32
    %scan3A_13 = arith.addi %scan3A_11, %scan3A_12 : i32
    %scan3A_14 = arith.constant 1 : i32
    scf.for %scan3A_21 = %scan3A_11 to %scan3A_13 step %scan3A_14  : i32 {
      %mul3A_22 = arith.constant 1 : i32
      %mul3A_23 = arith.muli %scan3A_21, %mul3A_22 : i32
      %add3A_24 = arith.constant 0 : i32
      %add3A_25 = arith.addi %add3A_24, %mul3A_23 : i32
      %broadcast_in_dim3A_26 = arith.constant 0.000000e+00 : f32
      %broadcast_in_dim3A_27 = vector.broadcast %broadcast_in_dim3A_26 : f32 to vector<16xf32>
      %swap3A = arith.index_cast %add3A_25 : i32 to index
      %swap3A_28 = arith.constant 0 : index
      %swap3A_29 = tpu.vector_load %arg9[%swap3A, %swap3A_28] {strides = array<i32>} : memref<128x64xf32, #tpu.memory_space<vmem>>, vector<1x16xf32>,
      %swap3A_30 = vector.shape_cast %swap3A_29 : vector<1x16xf32> to vector<16xf32>
      %swap3A_31 = vector.shape_cast %broadcast_in_dim3A_27 : vector<16xf32> to vector<1x16xf32>
      tpu.vector_store %arg9[%swap3A, %swap3A_28], %swap3A_31 {strides = array<i32>} : memref<128x64xf32, #tpu.memory_space<vmem>>, vector<1x16xf32>,
      %broadcast_in_dim3A_32 = arith.constant 0.000000e+00 : f32
      %broadcast_in_dim3A_33 = vector.broadcast %broadcast_in_dim3A_32 : f32 to vector<16xf32>
      %swap3A_34 = arith.index_cast %add3A_25 : i32 to index
      %swap3A_35 = arith.constant 16 : index
      %swap3A_36 = tpu.vector_load %arg9[%swap3A_34, %swap3A_35] {strides = array<i32>} : memref<128x64xf32, #tpu.memory_space<vmem>>, vector<1x16xf32>,
      %swap3A_37 = vector.shape_cast %swap3A_36 : vector<1x16xf32> to vector<16xf32>
      %swap3A_38 = vector.shape_cast %broadcast_in_dim3A_33 : vector<16xf32> to vector<1x16xf32>
      tpu.vector_store %arg9[%swap3A_34, %swap3A_35], %swap3A_38 {strides = array<i32>} : memref<128x64xf32, #tpu.memory_space<vmem>>, vector<1x16xf32>,
      %broadcast_in_dim3A_39 = arith.constant 0.000000e+00 : f32
      %broadcast_in_dim3A_40 = vector.broadcast %broadcast_in_dim3A_39 : f32 to vector<16xf32>
      %swap3A_41 = arith.index_cast %add3A_25 : i32 to index
      %swap3A_42 = arith.constant 32 : index
      %swap3A_43 = tpu.vector_load %arg9[%swap3A_41, %swap3A_42] {strides = array<i32>} : memref<128x64xf32, #tpu.memory_space<vmem>>, vector<1x16xf32>,
      %swap3A_44 = vector.shape_cast %swap3A_43 : vector<1x16xf32> to vector<16xf32>
      %swap3A_45 = vector.shape_cast %broadcast_in_dim3A_40 : vector<16xf32> to vector<1x16xf32>
      tpu.vector_store %arg9[%swap3A_41, %swap3A_42], %swap3A_45 {strides = array<i32>} : memref<128x64xf32, #tpu.memory_space<vmem>>, vector<1x16xf32>,
      %broadcast_in_dim3A_46 = arith.constant 0.000000e+00 : f32
      %broadcast_in_dim3A_47 = vector.broadcast %broadcast_in_dim3A_46 : f32 to vector<16xf32>
      %swap3A_48 = arith.index_cast %add3A_25 : i32 to index
      %swap3A_49 = arith.constant 48 : index
      %swap3A_50 = tpu.vector_load %arg9[%swap3A_48, %swap3A_49] {strides = array<i32>} : memref<128x64xf32, #tpu.memory_space<vmem>>, vector<1x16xf32>,
      %swap3A_51 = vector.shape_cast %swap3A_50 : vector<1x16xf32> to vector<16xf32>
      %swap3A_52 = vector.shape_cast %broadcast_in_dim3A_47 : vector<16xf32> to vector<1x16xf32>
      tpu.vector_store %arg9[%swap3A_48, %swap3A_49], %swap3A_52 {strides = array<i32>} : memref<128x64xf32, #tpu.memory_space<vmem>>, vector<1x16xf32>,
    }
    %scan3A_15 = arith.constant 128 : i32
    "tpu.region"() ({
      %run_scoped3A = tpu.sem_alloc : memref<!tpu.dma_semaphore, #tpu.memory_space<semaphore_mem>>
      %dma_start3A = arith.constant 0 : i32
      %dma_start3A_21 = tpu.memref_slice %arg10[%mul3A_4, %dma_start3A] : memref<2048x64xf32, #tpu.memory_space<vmem_shared>> -> memref<128x64xf32, #tpu.memory_space<vmem_shared>>
      %dma_start3A_22 = arith.constant 0 : i32
      %dma_start3A_23 = tpu.memref_slice %arg10[%mul3A_4, %dma_start3A_22] : memref<2048x64xf32, #tpu.memory_space<vmem_shared>> -> memref<128x64xf32, #tpu.memory_space<vmem_shared>>
      tpu.enqueue_dma source(%arg9 : memref<128x64xf32, #tpu.memory_space<vmem>>) target(%dma_start3A_23 : memref<128x64xf32, #tpu.memory_space<vmem_shared>>) target_semaphore(%run_scoped3A : memref<!tpu.dma_semaphore, #tpu.memory_space<semaphore_mem>>)
      %dma_wait3A = arith.constant 0 : i32
      %dma_wait3A_24 = tpu.memref_slice %arg10[%mul3A_4, %dma_wait3A] : memref<2048x64xf32, #tpu.memory_space<vmem_shared>> -> memref<128x64xf32, #tpu.memory_space<vmem_shared>>
      %dma_wait3A_25 = arith.constant 0 : i32
      %dma_wait3A_26 = tpu.memref_slice %arg10[%mul3A_4, %dma_wait3A_25] : memref<2048x64xf32, #tpu.memory_space<vmem_shared>> -> memref<128x64xf32, #tpu.memory_space<vmem_shared>>
      tpu.wait_dma2 semaphore(%run_scoped3A : memref<!tpu.dma_semaphore, #tpu.memory_space<semaphore_mem>>) src(%arg9 : memref<128x64xf32, #tpu.memory_space<vmem>>) dst(%dma_wait3A_26 : memref<128x64xf32, #tpu.memory_space<vmem_shared>>)
      tpu.yield
    }) : () -> ()
    %scan3A_16 = arith.constant 0 : i32
    %scan3A_17 = arith.constant 50 : i32
    %scan3A_18 = arith.addi %scan3A_16, %scan3A_17 : i32
    %scan3A_19 = arith.constant 1 : i32
    scf.for %scan3A_21 = %scan3A_16 to %scan3A_18 step %scan3A_19  : i32 {
      %mul3A_22 = arith.constant 1 : i32
      %mul3A_23 = arith.muli %scan3A_21, %mul3A_22 : i32
      %add3A_24 = arith.constant 0 : i32
      %add3A_25 = arith.addi %add3A_24, %mul3A_23 : i32
      %mul3A_26 = arith.constant 128 : i32
      %mul3A_27 = arith.muli %add3A_25, %mul3A_26 : i32
      "tpu.region"() ({
        %run_scoped3A = tpu.sem_alloc : memref<!tpu.dma_semaphore, #tpu.memory_space<semaphore_mem>>
        %dma_start3A = tpu.memref_slice %arg6[%mul3A_27] : memref<6400xi32, #tpu.memory_space<vmem>> -> memref<128xi32, #tpu.memory_space<vmem>>
        %dma_start3A_28 = arith.constant 0 : i32
        %dma_start3A_29 = arith.constant 0 : i32
        %dma_start3A_30 = tpu.memref_slice %arg2[%dma_start3A_28, %dma_start3A_29] : memref<100000x64xf32, #tpu.memory_space<hbm>> -> memref<100000x64xf32, #tpu.memory_space<hbm>>
        tpu.enqueue_indirect_dma source(%dma_start3A_30 : memref<100000x64xf32, #tpu.memory_space<hbm>>) target(%arg8 : memref<128x64xf32, #tpu.memory_space<vmem>>) offsets(%dma_start3A : memref<128xi32, #tpu.memory_space<vmem>>) semaphore(%run_scoped3A : memref<!tpu.dma_semaphore, #tpu.memory_space<semaphore_mem>>)
        %dma_wait3A = tpu.memref_slice %arg6[%mul3A_27] : memref<6400xi32, #tpu.memory_space<vmem>> -> memref<128xi32, #tpu.memory_space<vmem>>
        %dma_wait3A_31 = arith.constant 0 : i32
        %dma_wait3A_32 = arith.constant 0 : i32
        %dma_wait3A_33 = tpu.memref_slice %arg2[%dma_wait3A_31, %dma_wait3A_32] : memref<100000x64xf32, #tpu.memory_space<hbm>> -> memref<100000x64xf32, #tpu.memory_space<hbm>>
        tpu.wait_indirect_dma semaphore(%run_scoped3A : memref<!tpu.dma_semaphore, #tpu.memory_space<semaphore_mem>>) src(%dma_wait3A_33 : memref<100000x64xf32, #tpu.memory_space<hbm>>) dst(%arg8 : memref<128x64xf32, #tpu.memory_space<vmem>>)
        tpu.yield
      }) : () -> ()
      "tpu.region"() ({
        %run_scoped3A = tpu.sem_alloc : memref<!tpu.dma_semaphore, #tpu.memory_space<semaphore_mem>>
        %dma_start3A = arith.constant 0 : i32
        %dma_start3A_28 = tpu.memref_slice %arg7[%add3A_25, %dma_start3A] : memref<50x128xi32, #tpu.memory_space<vmem>> -> memref<1x128xi32, #tpu.memory_space<vmem>>
        %dma_start3A_29 = tpu.memref_squeeze %dma_start3A_28 : memref<1x128xi32, #tpu.memory_space<vmem>> -> memref<128xi32, #tpu.memory_space<vmem>>
        %dma_start3A_30 = arith.constant 0 : i32
        %dma_start3A_31 = arith.constant 0 : i32
        %dma_start3A_32 = tpu.memref_slice %arg10[%dma_start3A_30, %dma_start3A_31] : memref<2048x64xf32, #tpu.memory_space<vmem_shared>> -> memref<2048x64xf32, #tpu.memory_space<vmem_shared>>
        tpu.enqueue_indirect_dma source(%arg8 : memref<128x64xf32, #tpu.memory_space<vmem>>) target(%dma_start3A_32 : memref<2048x64xf32, #tpu.memory_space<vmem_shared>>) offsets(%dma_start3A_29 : memref<128xi32, #tpu.memory_space<vmem>>) semaphore(%run_scoped3A : memref<!tpu.dma_semaphore, #tpu.memory_space<semaphore_mem>>) {add = true}
        %dma_wait3A = arith.constant 0 : i32
        %dma_wait3A_33 = tpu.memref_slice %arg7[%add3A_25, %dma_wait3A] : memref<50x128xi32, #tpu.memory_space<vmem>> -> memref<1x128xi32, #tpu.memory_space<vmem>>
        %dma_wait3A_34 = tpu.memref_squeeze %dma_wait3A_33 : memref<1x128xi32, #tpu.memory_space<vmem>> -> memref<128xi32, #tpu.memory_space<vmem>>
        %dma_wait3A_35 = arith.constant 0 : i32
        %dma_wait3A_36 = arith.constant 0 : i32
        %dma_wait3A_37 = tpu.memref_slice %arg10[%dma_wait3A_35, %dma_wait3A_36] : memref<2048x64xf32, #tpu.memory_space<vmem_shared>> -> memref<2048x64xf32, #tpu.memory_space<vmem_shared>>
        tpu.wait_indirect_dma semaphore(%run_scoped3A : memref<!tpu.dma_semaphore, #tpu.memory_space<semaphore_mem>>) src(%arg8 : memref<128x64xf32, #tpu.memory_space<vmem>>) dst(%dma_wait3A_37 : memref<2048x64xf32, #tpu.memory_space<vmem_shared>>)
        tpu.yield
      }) : () -> ()
    }
    %scan3A_20 = arith.constant 50 : i32
    "tpu.region"() ({
      %run_scoped3A = tpu.sem_alloc : memref<!tpu.dma_semaphore, #tpu.memory_space<semaphore_mem>>
      %dma_start3A = arith.constant 0 : i32
      %dma_start3A_21 = tpu.memref_slice %arg5[%mul3A_2, %dma_start3A] : memref<4096x64xf32, #tpu.memory_space<hbm>> -> memref<128x64xf32, #tpu.memory_space<hbm>>
      %dma_start3A_22 = arith.constant 0 : i32
      %dma_start3A_23 = tpu.memref_slice %arg10[%mul3A_4, %dma_start3A_22] : memref<2048x64xf32, #tpu.memory_space<vmem_shared>> -> memref<128x64xf32, #tpu.memory_space<vmem_shared>>
      tpu.enqueue_dma source(%dma_start3A_23 : memref<128x64xf32, #tpu.memory_space<vmem_shared>>) target(%dma_start3A_21 : memref<128x64xf32, #tpu.memory_space<hbm>>) target_semaphore(%run_scoped3A : memref<!tpu.dma_semaphore, #tpu.memory_space<semaphore_mem>>)
      %dma_wait3A = arith.constant 0 : i32
      %dma_wait3A_24 = tpu.memref_slice %arg5[%mul3A_2, %dma_wait3A] : memref<4096x64xf32, #tpu.memory_space<hbm>> -> memref<128x64xf32, #tpu.memory_space<hbm>>
      %dma_wait3A_25 = arith.constant 0 : i32
      %dma_wait3A_26 = tpu.memref_slice %arg10[%mul3A_4, %dma_wait3A_25] : memref<2048x64xf32, #tpu.memory_space<vmem_shared>> -> memref<128x64xf32, #tpu.memory_space<vmem_shared>>
      tpu.wait_dma2 semaphore(%run_scoped3A : memref<!tpu.dma_semaphore, #tpu.memory_space<semaphore_mem>>) src(%dma_wait3A_26 : memref<128x64xf32, #tpu.memory_space<vmem_shared>>) dst(%dma_wait3A_24 : memref<128x64xf32, #tpu.memory_space<hbm>>)
      tpu.yield
    }) : () -> ()
    return
  }
}

#map = affine_map<(d0, d1) -> (0, 0)>
#map1 = affine_map<(d0, d1) -> (0)>
module attributes {stable_mosaic.version = 14 : i64} {
  func.func @k(%arg0: i32, %arg1: i32, %arg2: memref<1000000x64xf32, #tpu.memory_space<hbm>>, %arg3: memref<106496xi32, #tpu.memory_space<hbm>>, %arg4: memref<106496x64xf32, #tpu.memory_space<hbm>>, %arg5: memref<3328xi32, #tpu.memory_space<vmem>>, %arg6: memref<128x64xf32, #tpu.memory_space<vmem>>) attributes {dimension_semantics = [#tpu.dimension_semantics<core_parallel>, #tpu.dimension_semantics<subcore_parallel>], iteration_bounds = array<i64: 2, 16>, scalar_prefetch = 0 : i64, scratch_operands = 2 : i64, tpu.core_type = #tpu.core_type<sc_vector_subcore>, window_params = [{transform_indices = #map}, {transform_indices = #map1}, {transform_indices = #map}]} {
    %mul3A = arith.constant 2 : i32
    %mul3A_0 = arith.muli %arg1, %mul3A : i32
    %add3A = arith.addi %mul3A_0, %arg0 : i32
    %mul3A_1 = arith.constant 3328 : i32
    %mul3A_2 = arith.muli %add3A, %mul3A_1 : i32
    "tpu.region"() ({
      %run_scoped3A = tpu.sem_alloc : memref<!tpu.dma_semaphore, #tpu.memory_space<semaphore_mem>>
      %dma_start3A = tpu.memref_slice %arg3[%mul3A_2] : memref<106496xi32, #tpu.memory_space<hbm>> -> memref<3328xi32, #tpu.memory_space<hbm>>
      %dma_start3A_7 = tpu.memref_slice %arg3[%mul3A_2] : memref<106496xi32, #tpu.memory_space<hbm>> -> memref<3328xi32, #tpu.memory_space<hbm>>
      tpu.enqueue_dma source(%dma_start3A_7 : memref<3328xi32, #tpu.memory_space<hbm>>) target(%arg5 : memref<3328xi32, #tpu.memory_space<vmem>>) target_semaphore(%run_scoped3A : memref<!tpu.dma_semaphore, #tpu.memory_space<semaphore_mem>>)
      %dma_wait3A = tpu.memref_slice %arg3[%mul3A_2] : memref<106496xi32, #tpu.memory_space<hbm>> -> memref<3328xi32, #tpu.memory_space<hbm>>
      %dma_wait3A_8 = tpu.memref_slice %arg3[%mul3A_2] : memref<106496xi32, #tpu.memory_space<hbm>> -> memref<3328xi32, #tpu.memory_space<hbm>>
      tpu.wait_dma2 semaphore(%run_scoped3A : memref<!tpu.dma_semaphore, #tpu.memory_space<semaphore_mem>>) src(%dma_wait3A_8 : memref<3328xi32, #tpu.memory_space<hbm>>) dst(%arg5 : memref<3328xi32, #tpu.memory_space<vmem>>)
      tpu.yield
    }) : () -> ()
    %scan3A = arith.constant 0 : i32
    %scan3A_3 = arith.constant 26 : i32
    %scan3A_4 = arith.addi %scan3A, %scan3A_3 : i32
    %scan3A_5 = arith.constant 1 : i32
    scf.for %scan3A_7 = %scan3A to %scan3A_4 step %scan3A_5  : i32 {
      %mul3A_8 = arith.constant 1 : i32
      %mul3A_9 = arith.muli %scan3A_7, %mul3A_8 : i32
      %add3A_10 = arith.constant 0 : i32
      %add3A_11 = arith.addi %add3A_10, %mul3A_9 : i32
      %mul3A_12 = arith.constant 128 : i32
      %mul3A_13 = arith.muli %add3A_11, %mul3A_12 : i32
      "tpu.region"() ({
        %run_scoped3A = tpu.sem_alloc : memref<!tpu.dma_semaphore, #tpu.memory_space<semaphore_mem>>
        %dma_start3A = tpu.memref_slice %arg5[%mul3A_13] : memref<3328xi32, #tpu.memory_space<vmem>> -> memref<128xi32, #tpu.memory_space<vmem>>
        %dma_start3A_17 = arith.constant 0 : i32
        %dma_start3A_18 = arith.constant 0 : i32
        %dma_start3A_19 = tpu.memref_slice %arg2[%dma_start3A_17, %dma_start3A_18] : memref<1000000x64xf32, #tpu.memory_space<hbm>> -> memref<1000000x64xf32, #tpu.memory_space<hbm>>
        tpu.enqueue_indirect_dma source(%dma_start3A_19 : memref<1000000x64xf32, #tpu.memory_space<hbm>>) target(%arg6 : memref<128x64xf32, #tpu.memory_space<vmem>>) offsets(%dma_start3A : memref<128xi32, #tpu.memory_space<vmem>>) semaphore(%run_scoped3A : memref<!tpu.dma_semaphore, #tpu.memory_space<semaphore_mem>>)
        %dma_wait3A = tpu.memref_slice %arg5[%mul3A_13] : memref<3328xi32, #tpu.memory_space<vmem>> -> memref<128xi32, #tpu.memory_space<vmem>>
        %dma_wait3A_20 = arith.constant 0 : i32
        %dma_wait3A_21 = arith.constant 0 : i32
        %dma_wait3A_22 = tpu.memref_slice %arg2[%dma_wait3A_20, %dma_wait3A_21] : memref<1000000x64xf32, #tpu.memory_space<hbm>> -> memref<1000000x64xf32, #tpu.memory_space<hbm>>
        tpu.wait_indirect_dma semaphore(%run_scoped3A : memref<!tpu.dma_semaphore, #tpu.memory_space<semaphore_mem>>) src(%dma_wait3A_22 : memref<1000000x64xf32, #tpu.memory_space<hbm>>) dst(%arg6 : memref<128x64xf32, #tpu.memory_space<vmem>>)
        tpu.yield
      }) : () -> ()
      %mul3A_14 = arith.constant 128 : i32
      %mul3A_15 = arith.muli %add3A_11, %mul3A_14 : i32
      %add3A_16 = arith.addi %mul3A_2, %mul3A_15 : i32
      "tpu.region"() ({
        %run_scoped3A = tpu.sem_alloc : memref<!tpu.dma_semaphore, #tpu.memory_space<semaphore_mem>>
        %dma_start3A = arith.constant 0 : i32
        %dma_start3A_17 = tpu.memref_slice %arg4[%add3A_16, %dma_start3A] : memref<106496x64xf32, #tpu.memory_space<hbm>> -> memref<128x64xf32, #tpu.memory_space<hbm>>
        %dma_start3A_18 = arith.constant 0 : i32
        %dma_start3A_19 = tpu.memref_slice %arg4[%add3A_16, %dma_start3A_18] : memref<106496x64xf32, #tpu.memory_space<hbm>> -> memref<128x64xf32, #tpu.memory_space<hbm>>
        tpu.enqueue_dma source(%arg6 : memref<128x64xf32, #tpu.memory_space<vmem>>) target(%dma_start3A_19 : memref<128x64xf32, #tpu.memory_space<hbm>>) target_semaphore(%run_scoped3A : memref<!tpu.dma_semaphore, #tpu.memory_space<semaphore_mem>>)
        %dma_wait3A = arith.constant 0 : i32
        %dma_wait3A_20 = tpu.memref_slice %arg4[%add3A_16, %dma_wait3A] : memref<106496x64xf32, #tpu.memory_space<hbm>> -> memref<128x64xf32, #tpu.memory_space<hbm>>
        %dma_wait3A_21 = arith.constant 0 : i32
        %dma_wait3A_22 = tpu.memref_slice %arg4[%add3A_16, %dma_wait3A_21] : memref<106496x64xf32, #tpu.memory_space<hbm>> -> memref<128x64xf32, #tpu.memory_space<hbm>>
        tpu.wait_dma2 semaphore(%run_scoped3A : memref<!tpu.dma_semaphore, #tpu.memory_space<semaphore_mem>>) src(%arg6 : memref<128x64xf32, #tpu.memory_space<vmem>>) dst(%dma_wait3A_22 : memref<128x64xf32, #tpu.memory_space<hbm>>)
        tpu.yield
      }) : () -> ()
    }
    %scan3A_6 = arith.constant 26 : i32
    return
  }
}

module attributes {stable_mosaic.version = 14 : i64} {
  func.func @body(%arg0: i32, %arg1: memref<256x64xf32, #tpu.memory_space<vmem>>, %arg2: memref<64x64xf32, #tpu.memory_space<vmem>>, %arg3: memref<1x64xf32, #tpu.memory_space<vmem>>, %arg4: memref<256x1664xf32, #tpu.memory_space<vmem>>, %arg5: memref<256x26xf32, #tpu.memory_space<vmem>>) attributes {dimension_semantics = [#tpu.dimension_semantics<arbitrary>], iteration_bounds = array<i64: 16>, scalar_prefetch = 0 : i64, scratch_operands = 0 : i64, tpu.core_type = #tpu.core_type<tc>, window_params = [{transform_indices = @transform_0, window_bounds = array<i64: 256, 64>}, {pipeline_mode = #tpu.pipeline_mode<synchronous>, transform_indices = @transform_1, window_bounds = array<i64: 64, 64>}, {pipeline_mode = #tpu.pipeline_mode<synchronous>, transform_indices = @transform_2, window_bounds = array<i64: 1, 64>}, {transform_indices = @transform_3, window_bounds = array<i64: 256, 1664>}, {transform_indices = @transform_4, window_bounds = array<i64: 256, 26>}]} {
    %get3A = arith.constant 0 : index
    %get3A_0 = arith.constant 0 : index
    %get3A_1 = vector.load %arg1[%get3A, %get3A_0] : memref<256x64xf32, #tpu.memory_space<vmem>>, vector<256x64xf32>
    %get3A_2 = arith.constant 0 : index
    %get3A_3 = arith.constant 0 : index
    %get3A_4 = vector.load %arg2[%get3A_2, %get3A_3] : memref<64x64xf32, #tpu.memory_space<vmem>>, vector<64x64xf32>
    %dot_general3A = arith.constant dense<0.000000e+00> : vector<256x64xf32>
    %dot_general3A_5 = tpu.matmul %get3A_1, %get3A_4, %dot_general3A {dimension_numbers = #tpu.dot_dimension_numbers<[1], [0], [0], [1], [0, 0, 1, 1], [], []>, transpose_lhs_hint = false} : vector<256x64xf32>, vector<64x64xf32>, vector<256x64xf32> -> vector<256x64xf32>
    %get3A_6 = arith.constant 0 : index
    %get3A_7 = arith.constant 0 : index
    %get3A_8 = vector.load %arg3[%get3A_6, %get3A_7] : memref<1x64xf32, #tpu.memory_space<vmem>>, vector<1x64xf32>
    %add3A = vector.broadcast %get3A_8 : vector<1x64xf32> to vector<256x64xf32>
    %add3A_9 = arith.addf %dot_general3A_5, %add3A : vector<256x64xf32>
    %get3A_10 = arith.constant 0 : index
    %get3A_11 = arith.constant 0 : index
    %get3A_12 = vector.load %arg4[%get3A_10, %get3A_11] : memref<256x1664xf32, #tpu.memory_space<vmem>>, vector<256x1664xf32>
    %reshape3A = vector.shape_cast %get3A_12 : vector<256x1664xf32> to vector<256x26x64xf32>
    %broadcast_in_dim3A = vector.shape_cast %add3A_9 : vector<256x64xf32> to vector<256x1x64xf32>
    %mul3A = vector.broadcast %broadcast_in_dim3A : vector<256x1x64xf32> to vector<256x26x64xf32>
    %mul3A_13 = arith.mulf %reshape3A, %mul3A : vector<256x26x64xf32>
    %reduce_sum3A = arith.constant dense<0.000000e+00> : vector<256x26xf32>
    %reduce_sum3A_14 = vector.multi_reduction <add>, %mul3A_13, %reduce_sum3A [2] : vector<256x26x64xf32> to vector<256x26xf32>
    %swap3A = arith.constant 0 : index
    %swap3A_15 = arith.constant 0 : index
    %swap3A_16 = vector.load %arg5[%swap3A, %swap3A_15] : memref<256x26xf32, #tpu.memory_space<vmem>>, vector<256x26xf32>
    tpu.vector_store %arg5[%swap3A, %swap3A_15], %reduce_sum3A_14 {strides = array<i32>} : memref<256x26xf32, #tpu.memory_space<vmem>>, vector<256x26xf32>,
    return
  }
  func.func @transform_0(%arg0: i32) -> (i32, i32) {
    %c0_i32 = arith.constant 0 : i32
    %c0_i32_0 = arith.constant 0 : i32
    return %arg0, %c0_i32 : i32, i32
  }
  func.func @transform_1(%arg0: i32) -> (i32, i32) {
    %c0_i32 = arith.constant 0 : i32
    %c0_i32_0 = arith.constant 0 : i32
    %c0_i32_1 = arith.constant 0 : i32
    return %c0_i32, %c0_i32_0 : i32, i32
  }
  func.func @transform_2(%arg0: i32) -> (i32, i32) {
    %c0_i32 = arith.constant 0 : i32
    %c0_i32_0 = arith.constant 0 : i32
    %c0_i32_1 = arith.constant 0 : i32
    return %c0_i32, %c0_i32_0 : i32, i32
  }
  func.func @transform_3(%arg0: i32) -> (i32, i32) {
    %c0_i32 = arith.constant 0 : i32
    %c0_i32_0 = arith.constant 0 : i32
    return %arg0, %c0_i32 : i32, i32
  }
  func.func @transform_4(%arg0: i32) -> (i32, i32) {
    %c0_i32 = arith.constant 0 : i32
    %c0_i32_0 = arith.constant 0 : i32
    return %arg0, %c0_i32 : i32, i32
  }
}

</mosaic_0001>

<sc_bundles>
// kernel: kernel.5.cloned.1.call-start
scs
__scs_entry_jumppad:
0x0: {  	(pc) =	sbr.rel $0x88, $3  }
0x1: {  	(tag) =	ssettag $0x0;
	lr =	simm.s32 $0x1  }
0x2: {  	[smem:$0x3F9B] =	sst lr;
	_ =	strace $0xD0000000  }
0x3: {  	_ = 	snop  }
0x4: {  	_ = 	snop  }
0x5: {  	_ = 	snop  }
0x6: {  	_ = 	snop  }
0x7: {  	_ = 	snop  }
__scs_overlays_trampoline_lowered:
0x8: {  	[smem:$0x3FAA] =	sst s0  }
0x9: {  	[smem:$0x3FAB] =	sst s1  }
0xa: {  	[smem:$0x3FAC] =	sst s2  }
0xb: {  	[smem:$0x3FAD] =	sst s3  }
0xc: {  	[smem:$0x3FAE] =	sst s4  }
0xd: {  	[smem:$0x3FAF] =	sst s5  }
0xe: {  	[smem:$0x3FB0] =	sst s6  }
0xf: {  	[smem:$0x3FB1] =	sst s7  }
0x10: {  	[smem:$0x3FB2] =	sst s8  }
0x11: {  	[smem:$0x3FB3] =	sst s9;
	s0 =	simm.s32 @!p0 $0x0  }
0x12: {  	s1 =	sld [smem:$0x3F99];
	s0 =	simm.s32 @p0 $0x1  }
0x13: {  	[smem:$0x3FB4] =	sst s0;
	s0 =	simm.s32 @!p1 $0x0  }
0x14: {  	s2 =	sld [smem:$0x3F98];
	s0 =	simm.s32 @p1 $0x1  }
0x15: {  	[smem:$0x3FB5] =	sst s0;
	s0 =	simm.s32 @!p2 $0x0  }
0x16: {  	s3 =	sld [smem:$0x3FDB];
	s0 =	simm.s32 @p2 $0x1  }
0x17: {  	s4 =	simm.s32 $0x1BF5;
	[smem:$0x3FB7] =	sst s0  }
0x18: {  	s0 =	sld [smem:$0x3F9A];
	_ =	swait.ge [sflag:s4], $0x0  }
0x19: {  	s7 =	sld [smem:$0x3F9B]  }
0x1a: {  	s8 =	sadd.s32 $0xFFFFE003, lr  }
0x1b: {  	s9 =	sadd.s32 $0xFFFFFEF7, lr;
	s5 =	simm.s32 $0xFFFFFFFF;
	p2 =	slt.u32 s8, $0xFFFFF086  }
0x1c: {  	p1 =	slt.u32 s9, $0xF7A;
	s5 =	simm.s32 @!p2 $0x0  }
0x1d: {  	s5 =	simm.s32 @p1 $0x1;
	p0 =	seq.s32 s7, s2  }
0x1e: {  	s7 =	smul.u32 @!p0 $0xF7A, s2;
	p2 =	seq.s32 @!p0 s5, $0x0  }
0x1f: {  	s9 =	smul.u32 $0xF7A, s1;
	s8 =	simm.s32 @!p0 $0x1BF5;
	p2 =	por !p2, p0  }
0x20: {  	[sflag:s8] =	ssyncset.s32 @!p0 $0xFFFFF086;
	s6 =	sadd.s32 @!p0 s3, s7;
	s7 =	simm.s32 @!p0 $0x108  }
0x21: {  	s3 =	sadd.s32 s3, s9;
	s6 =	sadd.s32 @!p0 $0x88, s6;
	s7 =	simm.s32 @p2 $0x1082  }
0x22: {  	[simem:s7], [sflag:s8] =	dma.local @!p0 [hbm:s6], $0xF7A  }
0x23: {  	s9 =	sor.u32 $0xD0000000, s2;
	s6 =	simm.s32 $0x108;
	_ =	swait.ge @!p0 [sflag:s8], $0x0  }
0x24: {  	s3 =	sadd.s32 $0x88, s3;
	s6 =	simm.s32 @!p1 $0x1082;
	[sflag:s4] =	ssyncset.s32 $0xFFFFF086  }
0x25: {  	[simem:s6], [sflag:s4] =	dma.local [hbm:s3], $0xF7A  }
0x26: {  	[smem:$0x3F9B] =	sst s1;
	(tag) =	ssettag s2;
	_ =	strace s9  }
0x27: {  	s1 =	sld [smem:$0x3FAB]  }
0x28: {  	s2 =	sld [smem:$0x3FAC]  }
0x29: {  	s4 =	sld [smem:$0x3FAE]  }
0x2a: {  	p0 =	seq.s32 s5, $0x0;
	s5 =	sld [smem:$0x3FAF]  }
0x2b: {  	s6 =	sld [smem:$0x3FB0]  }
0x2c: {  	s7 =	sld [smem:$0x3FB1]  }
0x2d: {  	s3 =	simm.s32 $0x108;
	s8 =	sld [smem:$0x3FB2]  }
0x2e: {  	s3 =	simm.s32 @!p0 $0x1082;
	s9 =	sld [smem:$0x3FB3]  }
0x2f: {  	lr =	sadd.s32 s0, s3;
	s0 =	sld [smem:$0x3FAA]  }
0x30: {  	s3 =	sld [smem:$0x3FAD]  }
0x31: {  	[smem:$0x3FB6] =	sst s10  }
0x32: {  	s10 =	sld [smem:$0x3FB4];
	_ =	sdelay $0x3  }
0x33: {  	p0 =	seq.s32 s10, $0x1;
	s10 =	sld [smem:$0x3FB6];
	_ =	sdelay $0x3  }
0x34: {  	[smem:$0x3FB6] =	sst s10  }
0x35: {  	s10 =	sld [smem:$0x3FB5];
	_ =	sdelay $0x3  }
0x36: {  	p1 =	seq.s32 s10, $0x1;
	s10 =	sld [smem:$0x3FB6];
	_ =	sdelay $0x3  }
0x37: {  	[smem:$0x3FB6] =	sst s10  }
0x38: {  	s10 =	sld [smem:$0x3FB7]  }
0x39: {  	_ = 	snop;
	(pc) =	sbr.ind lr, $3  }
0x3a: {  	_ = 	snop  }
0x3b: {  	_ = 	snop  }
0x3c: {  	p2 =	seq.s32 s10, $0x1;
	s10 =	sld [smem:$0x3FB6]  }
0x3d: {  	_ =	shalt  }
0x3e: {  	_ =	shalt  }
0x3f: {  	_ =	shalt  }
0x40: {  	_ =	shalt  }
0x41: {  	_ =	shalt  }
0x42: {  	_ =	shalt  }
0x43: {  	_ =	shalt  }
0x44: {  	_ =	shalt  }
0x45: {  	_ =	shalt  }
0x46: {  	_ =	shalt  }
0x47: {  	_ =	shalt  }
0x48: {  	_ =	shalt  }
0x49: {  	_ =	shalt  }
0x4a: {  	_ =	shalt  }
0x4b: {  	_ =	shalt  }
0x4c: {  	_ =	shalt  }
0x4d: {  	_ =	shalt  }
0x4e: {  	_ =	shalt  }
0x4f: {  	_ =	shalt  }
0x50: {  	_ =	shalt  }
0x51: {  	_ =	shalt  }
0x52: {  	_ =	shalt  }
0x53: {  	_ =	shalt  }
0x54: {  	_ =	shalt  }
0x55: {  	_ =	shalt  }
0x56: {  	_ =	shalt  }
0x57: {  	_ =	shalt  }
0x58: {  	_ =	shalt  }
0x59: {  	_ =	shalt  }
0x5a: {  	_ =	shalt  }
0x5b: {  	_ =	shalt  }
0x5c: {  	_ =	shalt  }
0x5d: {  	_ =	shalt  }
0x5e: {  	_ =	shalt  }
0x5f: {  	_ =	shalt  }
0x60: {  	_ =	shalt  }
0x61: {  	_ =	shalt  }
0x62: {  	_ =	shalt  }
0x63: {  	_ =	shalt  }
0x64: {  	_ =	shalt  }
0x65: {  	_ =	shalt  }
0x66: {  	_ =	shalt  }
0x67: {  	_ =	shalt  }
0x68: {  	_ =	shalt  }
0x69: {  	_ =	shalt  }
0x6a: {  	_ =	shalt  }
0x6b: {  	_ =	shalt  }
0x6c: {  	_ =	shalt  }
0x6d: {  	_ =	shalt  }
0x6e: {  	_ =	shalt  }
0x6f: {  	_ =	shalt  }
0x70: {  	_ =	shalt  }
0x71: {  	_ =	shalt  }
0x72: {  	_ =	shalt  }
0x73: {  	_ =	shalt  }
0x74: {  	_ =	shalt  }
0x75: {  	_ =	shalt  }
0x76: {  	_ =	shalt  }
0x77: {  	_ =	shalt  }
0x78: {  	_ =	shalt  }
0x79: {  	_ =	shalt  }
0x7a: {  	_ =	shalt  }
0x7b: {  	_ =	shalt  }
0x7c: {  	_ =	shalt  }
0x7d: {  	_ =	shalt  }
0x7e: {  	_ =	shalt  }
0x7f: {  	_ =	shalt  }
0x80: {  	_ =	shalt  }
0x81: {  	_ =	shalt  }
0x82: {  	_ =	shalt  }
0x83: {  	_ =	shalt  }
0x84: {  	_ =	shalt  }
0x85: {  	_ =	shalt  }
0x86: {  	_ =	shalt  }
0x87: {  	_ =	shalt  }
.Lfunc_end0:
.L_simem_size_0:
called_computation_lowered:
.L_overlay_start_0:
0x88: {  	s2 =	sld [smem:$0x3FD9]  }
0x89: {  	s3 =	sld [smem:$0x3FFE];
	_ =	sdelay $0x1  }
0x8a: {  	s1 =	srdreg.scid  }
0x8b: {  	s0 =	sand.u32 $0x1, s1  }
0x8c: {  	s17 =	sshll.u32 s0, $0xA;
	s2 =	sadd.s32 s3, s2  }
0x8d: {  	s2 =	sadd.s32 s2, s17  }
0x8e: {  	[smem:$0x3FC2] =	sst s2  }
0x8f: {  	_ = 	snop  }
0x90: {  	(tm) =	ssettm $0x1  }
0x91: {  	s18 =	sld [smem:$0x3FFB];
	_ =	sdelay $0x3  }
0x92: {  	_ =	strace s18  }
0x93: {  	s2 =	sld [smem:$0x3FFC];
	_ =	sdelay $0x3  }
0x94: {  	_ =	strace s2  }
0x95: {  	s2 =	sld [smem:$0x3FFD];
	_ =	sdelay $0x3  }
0x96: {  	_ =	strace s2  }
0x97: {  	_ =	strace $0x8FFFFFFF  }
0x98: {  	s19 =	sld [smem:$0x3FDB];
	_ =	sdelay $0x1  }
0x99: {  	s20 =	simm.s32 $_scs_section_size  }
0x9a: {  	s4 =	simm.s32 $_size__tile_overlayer_lowered;
	s5 =	simm.s32 $_tile_overlayer_lowered  }
0x9b: {  	s6 =	simm.s32 $0x1BFF;
	s21 =	sshll.u32 s5, $0x1;
	s3 =	sadd.s32 s20, s19  }
0x9c: {  	s22 =	simm.s32 $0x0;
	s4 =	sshll.u32 s4, $0x1;
	s5 =	sadd.s32 s21, s3  }
0x9d: {  	[timem:s22], [sflag:s6] =	dma.local [hbm:s5], s4  }
0x9e: {  	_ =	swait.ge [sflag:s6], s4  }
0x9f: {  	s4 =	ssub.s32 $0x0, s4;
	[sflag:s6] =	ssyncset.done $0x0  }
0xa0: {  	[sflag:s6] =	ssyncadd.s32 s4;
	_ =	sdelay $0x1  }
0xa1: {  	s23 =	simm.s32 $0x1B8B  }
0xa2: {  	_ =	swait.ge [sflag:s23], $0x1  }
0xa3: {  	[sflag:s23] =	ssyncset.done $0x0  }
0xa4: {  	[sflag:s23] =	ssyncadd.s32 $0xFFFFFFFF  }
0xa5: {  	s4 =	sld [smem:$0x0]  }
0xa6: {  	s5 =	sand.u32 $0xFFFFFFFE, s1  }
0xa7: {  	p0 =	sne.s32 s1, s5  }
0xa8: {  	s5 =	sshll.u32 @p0 s5, $0xE  }
0xa9: {  	s5 =	sadd.s32 @p0 $0x11B8D, s5;
	s6 =	sshll.u32 @p0 s4, $0x11  }
0xaa: {  	s5 =	sor.u32 @p0 s6, s5  }
0xab: {  	[sflag:s5] =	ssyncadd.remote.s32 @p0 $0x1;
	_ =	sdelay $0x1  }
0xac: {  	s5 =	simm.s32 @p0 $0x1B8D  }
0xad: {  	_ =	swait.eq @p0 [sflag:s5], $0x1  }
0xae: {  	[sflag:s5] =	ssyncadd.s32 @p0 $0xFFFFFFFF  }
0xaf: {  	s6 =	sshll.u32 @!p0 s1, $0xE  }
0xb0: {  	s6 =	sor.u32 @!p0 $0x4000, s6;
	s5 =	simm.s32 @!p0 $0x1B8D  }
0xb1: {  	s4 =	sshll.u32 @!p0 s4, $0x11;
	s6 =	sadd.s32 @!p0 $0x11B8D, s6;
	_ =	swait.eq @!p0 [sflag:s5], $0x1  }
0xb2: {  	s4 =	sor.u32 @!p0 s4, s6;
	[sflag:s5] =	ssyncadd.s32 @!p0 $0xFFFFFFFF  }
0xb3: {  	s25 =	simm.s32 $0x1B8E;
	s24 =	sld [smem:$0x3FFE];
	[sflag:s4] =	ssyncadd.remote.s32 @!p0 $0x1  }
0xb4: {  	s26 =	simm.s32 $execute0_lowered;
	[smem:$0x3FD2] =	sst s25  }
0xb5: {  	s5 =	sshll.u32 s26, $0x1;
	_ =	strace $0x80000049;
	[dreg:$0x1] =	wrdreg $0xFFFFFFFF  }
0xb6: {  	s28 =	simm.s32 $_size_execute0_lowered;
	s3 =	sadd.s32 s3, s5;
	[dreg:$0x0] =	wrdreg $0x0  }
0xb7: {  	s5 =	sshll.u32 s28, $0x1;
	[dreg:$0x2] =	wrdreg s3  }
0xb8: {  	[dreg:$0x3] =	wrdreg s5  }
0xb9: {  	[dreg:$0x4] =	wrdreg $0xC0  }
0xba: {  	_ =	task [dreg:s22], $0x5FFFF  }
0xbb: {  	[dreg:$0x1] =	wrdreg $0xFFFFFFFF  }
0xbc: {  	[dreg:$0x0] =	wrdreg $0x60  }
0xbd: {  	[dreg:$0x2] =	wrdreg s24  }
0xbe: {  	[dreg:$0x3] =	wrdreg $0x72000  }
0xbf: {  	[dreg:$0x4] =	wrdreg $0x9  }
0xc0: {  	_ =	task.clear_ibuf [dreg:s22], $0x5FFFF;
	_ =	strace $0x90000049  }
0xc1: {  	s29 =	simm.s32 $0x9;
	_ =	strace $0x8000004B  }
0xc2: {  	_ =	swait.ge [sflag:s29], $0x1  }
0xc3: {  	[sflag:s29] =	ssyncadd.s32 $0xFFFFFFFF  }
0xc4: {  	_ =	strace $0x9000004B  }
0xc5: {  	_ =	sfence  }
0xc6: {  	s30 =	sld [smem:$0x0];
	_ =	sdelay $0x2  }
0xc7: {  	s31 =	sshll.u32 s1, $0xD;
	s1 =	sshrl.u32 s1, $0x2  }
0xc8: {  	s4 =	sand.u32 $0x4000, s31;
	s1 =	sadd.s32 s1, s30  }
0xc9: {  	s0 =	sor.u32 s4, s0;
	s1 =	sshll.u32 s1, $0x11  }
0xca: {  	s0 =	sor.u32 s1, s0  }
0xcb: {  	s0 =	sadd.s32 $0x8F2B, s0  }
0xcc: {  	[sflag:s0] =	ssyncadd.remote.s32 $0x1  }
0xcd: {  	_ =	sfence.sel $0xFFFF  }
0xce: {  	[dreg:$0x0] =	wrdreg $0xFFFFFFFF;
	(pc) =	sbr.abs _section_cstart, $3  }
0xcf: {  	[dreg:$0x1] =	wrdreg $0xFFFFFFFF  }
0xd0: {  	_ =	task.clear_ibuf [dreg:s22], $0x2FFFF;
	_ =	strace $0x9FFFFFFF  }
0xd1: {  	(tm) =	ssettm $0x7FFFFFFF  }
tec
execute0_lowered:
.L_overlay_start_1:
0x0: {  	(tag) =	ssettag $0x1  }
0x1: {  	s6 =	rddreg [dreg:$0x0];
	s1 =	srdreg.scid  }
0x2: {  	s0 =	stileid.u32;
	s2 =	rddreg [dreg:$0x1];
	s3 =	simm.s32 $0x0  }
0x3: {  	s12 =	simm.s32 $0x5200;
	s13 =	simm.s32 $0x80;
	s14 =	simm.s32 $0x3200  }
0x4: {  	s17 =	simm.s32 $0x0;
	s5 =	sand.u32 $0x1, s1;
	s1 =	rddreg [dreg:$0x2]  }
0x5: {  	s4 =	sshll.u32 s0, $0x1;
	[smem:$0x7FF] =	sst s3;
	s15 =	sshll.u32 s0, $0x7  }
0x6: {  	s31 =	sshll.u32 s0, $0xD;
	s16 =	sshll.u32 s0, $0x6;
	s7 =	sor.u32 s5, s4  }
0x7: {  	_ =	strace $0x8000004A;
	s4 =	sadd.s32 $0x257C00, s6;
	s9 =	ssub.s32 $0x2, s5  }
0x8: {  	s5 =	sadd.s32 $0xD7600, s6;
	s8 =	smul.u32 $0x320, s7;
	s7 =	sshll.u32 s7, $0xA  }
0x9: {  	v0 =	vmov s15;
	s15 =	sor.u32 $0x1C01, s16;
	s10 =	sshrl.u32 s9, $0x1;
	s11 =	sadd.s32 s7, s6  }
0xa: {  	s9 =	ssub.s32 s9, s10;
	s7 =	sadd.s32 s31, s2;
	s10 =	simm.s32 $0x1  }
0xb: {  	s8 =	sadd.s32 s8, s6;
	s9 =	smax.u32 s9, $0x1;
	s16 =	sshrl.u32 s7, $0x3  }
0xc: {  	v1 =	vimm.f32 $0.0e+00;
	s6 =	sadd.s32 $0xD1200, s8;
	s8 =	sadd.s32 $0xD7A00, s11;
	s11 =	simm.s32 $0x1900  }
.LBB2_1:
0xd: {  	[tilespmem:s3], [sflag:$0x1] =	stream.linear.gather [hbm4b:s6+s3], $0x1900, $0x38;
	[tilespmem:$0x9200] =	vst v63  }
0xe: {  	_ =	swait.ge [sflag:s10], $0x1900  }
0xf: {  	[sflag:s10] =	ssyncset.done $0x0  }
0x10: {  	[sflag:s10] =	ssyncadd.s32 $0xFFFFE700  }
0x11: {  	[tilespmem:s11], [sflag:$0x1] =	stream.linear.gather [hbm4b:s5+s3], $0x1900, $0x38;
	[tilespmem:$0x9200] =	vst v63  }
0x12: {  	_ =	swait.ge [sflag:s10], $0x1900  }
0x13: {  	[sflag:s10] =	ssyncset.done $0x0  }
0x14: {  	s18 =	simm.s32 $0x0;
	[sflag:s10] =	ssyncadd.s32 $0xFFFFE700  }
0x15: {  	v4 =	vld [tilespmem:s18+$0x1900]  }
0x16: {  	v6 =	vld [tilespmem:s18+$0x1910]  }
0x17: {  	v5 =	vld [tilespmem:s18+$0x1920]  }
0x18: {  	v3 =	vld [tilespmem:s18+$0x1930]  }
0x19: {  	v2 =	vld [tilespmem:s18+$0x1940]  }
0x1a: {  	v7 =	vadd.s32 v0, v4;
	v4 =	vld [tilespmem:s18+$0x1950]  }
0x1b: {  	s19 =	simm.s32 $0x200;
	[tilespmem:s18+$0x1900] =	vst v7;
	v7 =	vadd.s32 v0, v6;
	v6 =	vld [tilespmem:s18+$0x1960]  }
.LBB2_2:
0x1c: {  	s20 =	sshra.s32 s19, $0x2;
	p0 =	sne.s32 s19, $0x6200;
	[tilespmem:s18+$0x1910] =	vst v7;
	v5 =	vadd.s32 v0, v5;
	v7 =	vld [tilespmem:s18+$0x1970]  }
0x1d: {  	v8 =	vld [tilespmem:s20+$0x1900];
	[tilespmem:s18+$0x1920] =	vst v5;
	v3 =	vadd.s32 v0, v3  }
0x1e: {  	v9 =	vld [tilespmem:s20+$0x1910];
	[tilespmem:s18+$0x1930] =	vst v3;
	v2 =	vadd.s32 v0, v2  }
.Ltmp0:
0x1f: {  	v5 =	vld [tilespmem:s20+$0x1920];
	[tilespmem:s18+$0x1940] =	vst v2;
	v2 =	vadd.s32 v0, v4;
	(pc) =	sbr.rel @p0 .LBB2_2-.Ltmp0, $4  }
0x20: {  	v3 =	vld [tilespmem:s20+$0x1930];
	[tilespmem:s18+$0x1950] =	vst v2;
	v4 =	vadd.s32 v0, v6  }
0x21: {  	v2 =	vld [tilespmem:s20+$0x1940];
	[tilespmem:s18+$0x1960] =	vst v4;
	v6 =	vadd.s32 v0, v7  }
0x22: {  	v7 =	vadd.s32 v0, v8;
	v4 =	vld [tilespmem:s20+$0x1950];
	[tilespmem:s18+$0x1970] =	vst v6;
	s18 =	smov.u32 s20  }
0x23: {  	s19 =	sadd.s32 $0x200, s19;
	[tilespmem:s18+$0x1900] =	vst v7;
	v7 =	vadd.s32 v0, v9;
	v6 =	vld [tilespmem:s18+$0x1960]  }
0x24: {  	[tilespmem:s18+$0x1910] =	vst v7;
	v5 =	vadd.s32 v0, v5;
	v63 =	vld [tilespmem:s18+$0x1970]  }
0x25: {  	[tilespmem:s18+$0x1920] =	vst v5;
	v3 =	vadd.s32 v0, v3  }
0x26: {  	[tilespmem:s18+$0x1930] =	vst v3;
	v2 =	vadd.s32 v0, v2  }
0x27: {  	[tilespmem:s18+$0x1940] =	vst v2;
	v2 =	vadd.s32 v0, v4  }
0x28: {  	[tilespmem:s18+$0x1950] =	vst v2;
	v2 =	vadd.s32 v0, v6  }
0x29: {  	[tilespmem:s18+$0x1960] =	vst v2;
	v2 =	vadd.s32 v0, v63  }
0x2a: {  	s19 =	simm.s32 $0x100;
	[tilespmem:s18+$0x1970] =	vst v2;
	s18 =	simm.s32 $0x0  }
.LBB2_4:
0x2b: {  	p0 =	sne.s32 s19, $0x7F00;
	[tilespmem:s18+$0x5230] =	vst v1;
	s20 =	smov.u32 s19;
	s19 =	sadd.s32 $0x100, s19  }
.Ltmp1:
0x2c: {  	[tilespmem:s18+$0x5220] =	vst v1;
	(pc) =	sbr.rel @p0 .LBB2_4-.Ltmp1, $3  }
0x2d: {  	[tilespmem:s18+$0x5200] =	vst v1  }
0x2e: {  	[tilespmem:s18+$0x5210] =	vst v1;
	_ =	sdelay $0x1  }
0x2f: {  	s18 =	sshra.s32 s20, $0x2  }
0x30: {  	[tilespmem:s18+$0x5230] =	vst v1  }
0x31: {  	[tilespmem:s18+$0x5220] =	vst v1  }
0x32: {  	[tilespmem:s18+$0x5200] =	vst v1  }
0x33: {  	[tilespmem:s18+$0x5210] =	vst v1  }
0x34: {  	[spmem:s7] =	stream.linear.scatter [tilespmem:s12], [sflag:$0x1], $0x2000, $0x38;
	[tilespmem:$0x9200] =	vst v63  }
0x35: {  	_ =	swait.ge [sflag:s10], $0x2000  }
0x36: {  	[sflag:s10] =	ssyncset.done $0x0  }
0x37: {  	s30 =	simm.s32 $0x0;
	[sflag:s10] =	ssyncadd.s32 $0xFFFFE000  }
0x38: {  	[tilespmem:s14], [sflag:$0x1] =	stream.indirect.gather [hbm4b:s4+s13], $0x40, s30, s13, $0xb8;
	[tilespmem:$0x9200] =	vst v63  }
0x39: {  	_ =	swait.ge [sflag:s10], $0x2000  }
0x3a: {  	[sflag:s10] =	ssyncset.done $0x0  }
0x3b: {  	s31 =	simm.s32 $0x1900;
	[sflag:s10] =	ssyncadd.s32 $0xFFFFE000  }
0x3c: {  	[spmem:s2] =	stream.indirect.scatter.add.f32 [tilespmem:s14], [sflag:$0x1], $0x40, s31, s13, $0xb8;
	[tilespmem:$0x9200] =	vst v63  }
0x3d: {  	_ =	swait.ge [sflag:s10], $0x2000  }
0x3e: {  	s18 =	simm.s32 $0x200;
	s19 =	simm.s32 $0x400;
	[sflag:s10] =	ssyncset.done $0x0  }
.LBB2_6:
0x3f: {  	s20 =	sshra.s32 s18, $0x2  }
0x40: {  	[sflag:s10] =	ssyncadd.s32 $0xFFFFE000;
	s18 =	smov.u32 s19;
	s21 =	sadd.s32 $0x200, s19  }
0x41: {  	[tilespmem:s14], [sflag:$0x1] =	stream.indirect.gather [hbm4b:s4+s13], $0x40, s20, s13, $0xb8;
	[tilespmem:$0x9200] =	vst v63  }
0x42: {  	p0 =	sne.s32 s19, $0x6200;
	_ =	swait.ge [sflag:s10], $0x2000  }
.Ltmp2:
0x43: {  	[sflag:s10] =	ssyncset.done $0x0;
	(pc) =	sbr.rel @p0 .LBB2_6-.Ltmp2, $4  }
0x44: {  	s19 =	sadd.s32 $0x1900, s20;
	[sflag:s10] =	ssyncadd.s32 $0xFFFFE000  }
0x45: {  	[spmem:s2] =	stream.indirect.scatter.add.f32 [tilespmem:s14], [sflag:$0x1], $0x40, s19, s13, $0xb8;
	[tilespmem:$0x9200] =	vst v63  }
0x46: {  	_ =	swait.ge [sflag:s10], $0x2000  }
0x47: {  	s19 =	smov.u32 s21;
	[sflag:s10] =	ssyncset.done $0x0  }
0x48: {  	s18 =	sshra.s32 s18, $0x2;
	[sflag:s10] =	ssyncadd.s32 $0xFFFFE000  }
0x49: {  	[tilespmem:s14], [sflag:$0x1] =	stream.indirect.gather [hbm4b:s4+s13], $0x40, s18, s13, $0xb8;
	[tilespmem:$0x9200] =	vst v63  }
0x4a: {  	_ =	swait.ge [sflag:s10], $0x2000  }
0x4b: {  	[sflag:s10] =	ssyncset.done $0x0  }
0x4c: {  	s18 =	sadd.s32 $0x1900, s18;
	[sflag:s10] =	ssyncadd.s32 $0xFFFFE000  }
0x4d: {  	[spmem:s2] =	stream.indirect.scatter.add.f32 [tilespmem:s14], [sflag:$0x1], $0x40, s18, s13, $0xb8;
	[tilespmem:$0x9200] =	vst v63  }
0x4e: {  	s17 =	sadd.s32 $0x1, s17;
	_ =	swait.ge [sflag:s10], $0x2000  }
0x4f: {  	p0 =	sne.s32 s17, s9;
	[sflag:s10] =	ssyncset.done $0x0  }
.Ltmp3:
0x50: {  	[sflag:s10] =	ssyncadd.s32 $0xFFFFE000;
	(pc) =	sbr.rel @p0 .LBB2_1-.Ltmp3, $4  }
0x51: {  	[hbm:s8], [sflag:s15] =	dma.local [spmem:s16], $0x400  }
0x52: {  	_ =	swait.ge [sflag:s10], $0x400  }
0x53: {  	[sflag:s10] =	ssyncset.done $0x0  }
0x54: {  	[sflag:s10] =	ssyncadd.s32 $0xFFFFFC00  }
0x55: {  	_ =	sfence.sel $0x180000  }
0x56: {  	[bflag:$0x0] =	sbarrier.arrive $0xFFFF  }
0x57: {  	p0 =	sne.s32 s0, $0x0;
	_ =	strace $0x9000004A  }
0x58: {  	s0 =	sadd.s32 @!p0 $0x100000, s1;
	[bflag:$0x2] =	sbarrier.arrive $0xFFFF  }
0x59: {  	[sflag:s0] =	ssyncadd.tile.s32 @!p0 $0x1;
	_ =	shalt  }
.Lfunc_end2:
_tile_overlayer_lowered:
.L_overlay_start_2:
0x5a: {  	(tag) =	ssettag $0x2  }
0x5b: {  	s0 =	rddreg [dreg:$0x0];
	s2 =	stileid.u32  }
0x5c: {  	s1 =	rddreg [dreg:$0x1];
	p0 =	sne.s32 s2, $0x0  }
0x5d: {  	s3 =	rddreg [dreg:$0x2];
	[bflag:$0x3] =	sbarrier.arrive $0xFFFF;
	s2 =	simm.s32 @!p0 $0x1C01  }
0x5e: {  	[timem:s3], [sflag:s2] =	dma.local @!p0 [hbm:s0], s1  }
0x5f: {  	s0 =	simm.s32 @!p0 $0x1  }
0x60: {  	_ =	swait.ge @!p0 [sflag:s0], s1  }
0x61: {  	s1 =	ssub.s32 @!p0 $0x0, s1;
	[sflag:s0] =	ssyncset.done @!p0 $0x0  }
0x62: {  	[sflag:s0] =	ssyncadd.s32 @!p0 s1  }
0x63: {  	[bflag:$0x3] =	sbarrier.arrive $0xFFFF  }
0x64: {  	_ =	shalt  }

// kernel: kernel.8.cloned.1.call-start
scs
__scs_entry_jumppad:
0x0: {  	(pc) =	sbr.rel $0x88, $3  }
0x1: {  	(tag) =	ssettag $0x0;
	lr =	simm.s32 $0x1  }
0x2: {  	[smem:$0x3F9B] =	sst lr;
	_ =	strace $0xD0000000  }
0x3: {  	_ = 	snop  }
0x4: {  	_ = 	snop  }
0x5: {  	_ = 	snop  }
0x6: {  	_ = 	snop  }
0x7: {  	_ = 	snop  }
__scs_overlays_trampoline_lowered:
0x8: {  	[smem:$0x3FAA] =	sst s0  }
0x9: {  	[smem:$0x3FAB] =	sst s1  }
0xa: {  	[smem:$0x3FAC] =	sst s2  }
0xb: {  	[smem:$0x3FAD] =	sst s3  }
0xc: {  	[smem:$0x3FAE] =	sst s4  }
0xd: {  	[smem:$0x3FAF] =	sst s5  }
0xe: {  	[smem:$0x3FB0] =	sst s6  }
0xf: {  	[smem:$0x3FB1] =	sst s7  }
0x10: {  	[smem:$0x3FB2] =	sst s8  }
0x11: {  	[smem:$0x3FB3] =	sst s9;
	s0 =	simm.s32 @!p0 $0x0  }
0x12: {  	s1 =	sld [smem:$0x3F99];
	s0 =	simm.s32 @p0 $0x1  }
0x13: {  	[smem:$0x3FB4] =	sst s0;
	s0 =	simm.s32 @!p1 $0x0  }
0x14: {  	s2 =	sld [smem:$0x3F98];
	s0 =	simm.s32 @p1 $0x1  }
0x15: {  	[smem:$0x3FB5] =	sst s0;
	s0 =	simm.s32 @!p2 $0x0  }
0x16: {  	s3 =	sld [smem:$0x3FDB];
	s0 =	simm.s32 @p2 $0x1  }
0x17: {  	s4 =	simm.s32 $0x1BF5;
	[smem:$0x3FB7] =	sst s0  }
0x18: {  	s0 =	sld [smem:$0x3F9A];
	_ =	swait.ge [sflag:s4], $0x0  }
0x19: {  	s7 =	sld [smem:$0x3F9B]  }
0x1a: {  	s8 =	sadd.s32 $0xFFFFE003, lr  }
0x1b: {  	s9 =	sadd.s32 $0xFFFFFEF7, lr;
	s5 =	simm.s32 $0xFFFFFFFF;
	p2 =	slt.u32 s8, $0xFFFFF086  }
0x1c: {  	p1 =	slt.u32 s9, $0xF7A;
	s5 =	simm.s32 @!p2 $0x0  }
0x1d: {  	s5 =	simm.s32 @p1 $0x1;
	p0 =	seq.s32 s7, s2  }
0x1e: {  	s7 =	smul.u32 @!p0 $0xF7A, s2;
	p2 =	seq.s32 @!p0 s5, $0x0  }
0x1f: {  	s9 =	smul.u32 $0xF7A, s1;
	s8 =	simm.s32 @!p0 $0x1BF5;
	p2 =	por !p2, p0  }
0x20: {  	[sflag:s8] =	ssyncset.s32 @!p0 $0xFFFFF086;
	s6 =	sadd.s32 @!p0 s3, s7;
	s7 =	simm.s32 @!p0 $0x108  }
0x21: {  	s3 =	sadd.s32 s3, s9;
	s6 =	sadd.s32 @!p0 $0x88, s6;
	s7 =	simm.s32 @p2 $0x1082  }
0x22: {  	[simem:s7], [sflag:s8] =	dma.local @!p0 [hbm:s6], $0xF7A  }
0x23: {  	s9 =	sor.u32 $0xD0000000, s2;
	s6 =	simm.s32 $0x108;
	_ =	swait.ge @!p0 [sflag:s8], $0x0  }
0x24: {  	s3 =	sadd.s32 $0x88, s3;
	s6 =	simm.s32 @!p1 $0x1082;
	[sflag:s4] =	ssyncset.s32 $0xFFFFF086  }
0x25: {  	[simem:s6], [sflag:s4] =	dma.local [hbm:s3], $0xF7A  }
0x26: {  	[smem:$0x3F9B] =	sst s1;
	(tag) =	ssettag s2;
	_ =	strace s9  }
0x27: {  	s1 =	sld [smem:$0x3FAB]  }
0x28: {  	s2 =	sld [smem:$0x3FAC]  }
0x29: {  	s4 =	sld [smem:$0x3FAE]  }
0x2a: {  	p0 =	seq.s32 s5, $0x0;
	s5 =	sld [smem:$0x3FAF]  }
0x2b: {  	s6 =	sld [smem:$0x3FB0]  }
0x2c: {  	s7 =	sld [smem:$0x3FB1]  }
0x2d: {  	s3 =	simm.s32 $0x108;
	s8 =	sld [smem:$0x3FB2]  }
0x2e: {  	s3 =	simm.s32 @!p0 $0x1082;
	s9 =	sld [smem:$0x3FB3]  }
0x2f: {  	lr =	sadd.s32 s0, s3;
	s0 =	sld [smem:$0x3FAA]  }
0x30: {  	s3 =	sld [smem:$0x3FAD]  }
0x31: {  	[smem:$0x3FB6] =	sst s10  }
0x32: {  	s10 =	sld [smem:$0x3FB4];
	_ =	sdelay $0x3  }
0x33: {  	p0 =	seq.s32 s10, $0x1;
	s10 =	sld [smem:$0x3FB6];
	_ =	sdelay $0x3  }
0x34: {  	[smem:$0x3FB6] =	sst s10  }
0x35: {  	s10 =	sld [smem:$0x3FB5];
	_ =	sdelay $0x3  }
0x36: {  	p1 =	seq.s32 s10, $0x1;
	s10 =	sld [smem:$0x3FB6];
	_ =	sdelay $0x3  }
0x37: {  	[smem:$0x3FB6] =	sst s10  }
0x38: {  	s10 =	sld [smem:$0x3FB7]  }
0x39: {  	_ = 	snop;
	(pc) =	sbr.ind lr, $3  }
0x3a: {  	_ = 	snop  }
0x3b: {  	_ = 	snop  }
0x3c: {  	p2 =	seq.s32 s10, $0x1;
	s10 =	sld [smem:$0x3FB6]  }
0x3d: {  	_ =	shalt  }
0x3e: {  	_ =	shalt  }
0x3f: {  	_ =	shalt  }
0x40: {  	_ =	shalt  }
0x41: {  	_ =	shalt  }
0x42: {  	_ =	shalt  }
0x43: {  	_ =	shalt  }
0x44: {  	_ =	shalt  }
0x45: {  	_ =	shalt  }
0x46: {  	_ =	shalt  }
0x47: {  	_ =	shalt  }
0x48: {  	_ =	shalt  }
0x49: {  	_ =	shalt  }
0x4a: {  	_ =	shalt  }
0x4b: {  	_ =	shalt  }
0x4c: {  	_ =	shalt  }
0x4d: {  	_ =	shalt  }
0x4e: {  	_ =	shalt  }
0x4f: {  	_ =	shalt  }
0x50: {  	_ =	shalt  }
0x51: {  	_ =	shalt  }
0x52: {  	_ =	shalt  }
0x53: {  	_ =	shalt  }
0x54: {  	_ =	shalt  }
0x55: {  	_ =	shalt  }
0x56: {  	_ =	shalt  }
0x57: {  	_ =	shalt  }
0x58: {  	_ =	shalt  }
0x59: {  	_ =	shalt  }
0x5a: {  	_ =	shalt  }
0x5b: {  	_ =	shalt  }
0x5c: {  	_ =	shalt  }
0x5d: {  	_ =	shalt  }
0x5e: {  	_ =	shalt  }
0x5f: {  	_ =	shalt  }
0x60: {  	_ =	shalt  }
0x61: {  	_ =	shalt  }
0x62: {  	_ =	shalt  }
0x63: {  	_ =	shalt  }
0x64: {  	_ =	shalt  }
0x65: {  	_ =	shalt  }
0x66: {  	_ =	shalt  }
0x67: {  	_ =	shalt  }
0x68: {  	_ =	shalt  }
0x69: {  	_ =	shalt  }
0x6a: {  	_ =	shalt  }
0x6b: {  	_ =	shalt  }
0x6c: {  	_ =	shalt  }
0x6d: {  	_ =	shalt  }
0x6e: {  	_ =	shalt  }
0x6f: {  	_ =	shalt  }
0x70: {  	_ =	shalt  }
0x71: {  	_ =	shalt  }
0x72: {  	_ =	shalt  }
0x73: {  	_ =	shalt  }
0x74: {  	_ =	shalt  }
0x75: {  	_ =	shalt  }
0x76: {  	_ =	shalt  }
0x77: {  	_ =	shalt  }
0x78: {  	_ =	shalt  }
0x79: {  	_ =	shalt  }
0x7a: {  	_ =	shalt  }
0x7b: {  	_ =	shalt  }
0x7c: {  	_ =	shalt  }
0x7d: {  	_ =	shalt  }
0x7e: {  	_ =	shalt  }
0x7f: {  	_ =	shalt  }
0x80: {  	_ =	shalt  }
0x81: {  	_ =	shalt  }
0x82: {  	_ =	shalt  }
0x83: {  	_ =	shalt  }
0x84: {  	_ =	shalt  }
0x85: {  	_ =	shalt  }
0x86: {  	_ =	shalt  }
0x87: {  	_ =	shalt  }
.Lfunc_end0:
.L_simem_size_0:
called_computation.1_lowered:
.L_overlay_start_0:
0x88: {  	s2 =	sld [smem:$0x3FD9]  }
0x89: {  	s3 =	sld [smem:$0x3FFE];
	_ =	sdelay $0x1  }
0x8a: {  	s1 =	srdreg.scid  }
0x8b: {  	s0 =	sand.u32 $0x1, s1  }
0x8c: {  	s17 =	sshll.u32 s0, $0xA;
	s2 =	sadd.s32 s3, s2  }
0x8d: {  	s2 =	sadd.s32 s2, s17  }
0x8e: {  	[smem:$0x3FC2] =	sst s2  }
0x8f: {  	_ = 	snop  }
0x90: {  	s2 =	sld [smem:$0x3FD0];
	(tm) =	ssettm $0x1  }
0x91: {  	s18 =	sld [smem:$0x3FFB];
	_ =	sdelay $0x3  }
0x92: {  	_ =	strace s18  }
0x93: {  	s3 =	sld [smem:$0x3FFC];
	_ =	sdelay $0x3  }
0x94: {  	_ =	strace s3  }
0x95: {  	s3 =	sld [smem:$0x3FFD];
	_ =	sdelay $0x3  }
0x96: {  	_ =	strace s3  }
0x97: {  	_ =	strace $0x8FFFFFFF  }
0x98: {  	s19 =	sld [smem:$0x3FDB];
	_ =	sdelay $0x1  }
0x99: {  	s4 =	simm.s32 $_scs_section_size  }
0x9a: {  	s5 =	simm.s32 $_size__tile_overlayer_lowered;
	s6 =	simm.s32 $_tile_overlayer_lowered  }
0x9b: {  	s22 =	simm.s32 $0x1BFF;
	s21 =	sshll.u32 s6, $0x1;
	s3 =	sadd.s32 s4, s19  }
0x9c: {  	s7 =	simm.s32 $0x0;
	s20 =	sshll.u32 s5, $0x1;
	s5 =	sadd.s32 s21, s3  }
0x9d: {  	[timem:s7], [sflag:s22] =	dma.local [hbm:s5], s20  }
0x9e: {  	_ =	swait.ge [sflag:s22], s20  }
0x9f: {  	s4 =	ssub.s32 $0x0, s20;
	[sflag:s22] =	ssyncset.done $0x0  }
0xa0: {  	[sflag:s22] =	ssyncadd.s32 s4;
	_ =	sdelay $0x1  }
0xa1: {  	s23 =	simm.s32 $0x1B8B  }
0xa2: {  	_ =	swait.ge [sflag:s23], $0x1  }
0xa3: {  	[sflag:s23] =	ssyncset.done $0x0  }
0xa4: {  	s25 =	simm.s32 $0x1B8E;
	s24 =	sld [smem:$0x3FFE];
	[sflag:s23] =	ssyncadd.s32 $0xFFFFFFFF  }
0xa5: {  	s26 =	simm.s32 $execute0_lowered;
	[smem:$0x3FD2] =	sst s25  }
0xa6: {  	s5 =	sshll.u32 s26, $0x1;
	_ =	strace $0x80000046;
	[dreg:$0x1] =	wrdreg $0xFFFFFFFF  }
0xa7: {  	s28 =	simm.s32 $_size_execute0_lowered;
	s3 =	sadd.s32 s3, s5;
	[dreg:$0x0] =	wrdreg $0x0  }
0xa8: {  	s5 =	sshll.u32 s28, $0x1;
	[dreg:$0x2] =	wrdreg s3  }
0xa9: {  	[dreg:$0x3] =	wrdreg s5  }
0xaa: {  	[dreg:$0x4] =	wrdreg $0xC0  }
0xab: {  	_ =	task [dreg:s7], $0x5FFFF  }
0xac: {  	[dreg:$0x1] =	wrdreg $0xFFFFFFFF  }
0xad: {  	[dreg:$0x0] =	wrdreg $0x60  }
0xae: {  	[dreg:$0x2] =	wrdreg s24  }
0xaf: {  	[dreg:$0x3] =	wrdreg s2  }
0xb0: {  	[dreg:$0x4] =	wrdreg $0xA  }
0xb1: {  	_ =	task.clear_ibuf [dreg:s7], $0x5FFFF;
	_ =	strace $0x90000046  }
0xb2: {  	s29 =	simm.s32 $0xA;
	_ =	strace $0x80000048  }
0xb3: {  	_ =	swait.ge [sflag:s29], $0x1  }
0xb4: {  	[sflag:s29] =	ssyncadd.s32 $0xFFFFFFFF  }
0xb5: {  	_ =	strace $0x90000048  }
0xb6: {  	_ =	sfence  }
0xb7: {  	s30 =	sld [smem:$0x0];
	_ =	sdelay $0x2  }
0xb8: {  	s31 =	sshll.u32 s1, $0xD;
	s1 =	sshrl.u32 s1, $0x2  }
0xb9: {  	s3 =	sand.u32 $0x4000, s31;
	s1 =	sadd.s32 s1, s30  }
0xba: {  	s0 =	sor.u32 s3, s0;
	s1 =	sshll.u32 s1, $0x11  }
0xbb: {  	s0 =	sor.u32 s1, s0  }
0xbc: {  	s0 =	sadd.s32 $0x8F2B, s0  }
0xbd: {  	[sflag:s0] =	ssyncadd.remote.s32 $0x1  }
0xbe: {  	_ =	sfence.sel $0xFFFF  }
0xbf: {  	[dreg:$0x0] =	wrdreg $0xFFFFFFFF;
	(pc) =	sbr.abs _section_cstart, $3  }
0xc0: {  	[dreg:$0x1] =	wrdreg $0xFFFFFFFF  }
0xc1: {  	_ =	task.clear_ibuf [dreg:s7], $0x2FFFF;
	_ =	strace $0x9FFFFFFF  }
0xc2: {  	(tm) =	ssettm $0x7FFFFFFF  }
0xc3: {  	_ =	shalt  }
tec
execute0_lowered:
.L_overlay_start_1:
0x0: {  	(tag) =	ssettag $0x1  }
0x1: {  	s4 =	rddreg [dreg:$0x0]  }
0x2: {  	s5 =	rddreg [dreg:$0x1]  }
0x3: {  	s0 =	rddreg [dreg:$0x2];
	s3 =	srdreg.scid  }
0x4: {  	s1 =	stileid.u32;
	s2 =	simm.s32 $0x0;
	s6 =	sand.u32 $0x1, s3  }
0x5: {  	s30 =	sshll.u32 s1, $0x1;
	[smem:$0x7FF] =	sst s2;
	s7 =	smul.u32 $0xD000, s1  }
0x6: {  	s3 =	sor.u32 s6, s30;
	s9 =	ssub.s32 $0x2, s6;
	s6 =	smul.u32 $0x6800, s6  }
0x7: {  	s10 =	simm.s32 $0x0;
	_ =	strace $0x80000047;
	s8 =	smul.u32 $0xD00, s3  }
0x8: {  	s3 =	sadd.s32 $0xF43600, s4;
	s7 =	sadd.s32 s7, s4;
	s31 =	sshrl.u32 s9, $0x1  }
0x9: {  	s9 =	ssub.s32 s9, s31;
	s6 =	sadd.s32 s6, s7;
	s8 =	sshrl.u32 s8, $0x3  }
0xa: {  	s7 =	simm.s32 $0x1;
	s6 =	sadd.s32 $0x1200, s6;
	s4 =	sadd.s32 s5, s8  }
0xb: {  	s5 =	smax.u32 s9, $0x1;
	s8 =	simm.s32 $0x80;
	s9 =	simm.s32 $0xD00  }
.LBB2_1:
0xc: {  	[tilespmem:s2], [sflag:$0x1] =	stream.linear.gather [hbm4b:s4+s2], $0xD00, $0x38;
	[tilespmem:$0x2D00] =	vst v63  }
0xd: {  	_ =	swait.ge [sflag:s7], $0xD00  }
0xe: {  	[sflag:s7] =	ssyncset.done $0x0  }
0xf: {  	s11 =	simm.s32 $0x0;
	[sflag:s7] =	ssyncadd.s32 $0xFFFFF300  }
0x10: {  	[tilespmem:s9], [sflag:$0x1] =	stream.indirect.gather [hbm4b:s3+s8], $0x40, s11, s8, $0xb8;
	[tilespmem:$0x2D00] =	vst v63  }
0x11: {  	_ =	swait.ge [sflag:s7], $0x2000  }
0x12: {  	[sflag:s7] =	ssyncset.done $0x0  }
0x13: {  	[sflag:s7] =	ssyncadd.s32 $0xFFFFE000  }
0x14: {  	[hbm4b:s6+s2] =	stream.linear.scatter [tilespmem:s9], [sflag:$0x1], $0x2000, $0x38;
	[tilespmem:$0x2D00] =	vst v63  }
0x15: {  	s12 =	simm.s32 $0x200;
	_ =	swait.ge [sflag:s7], $0x2000  }
0x16: {  	s13 =	simm.s32 $0x400;
	s11 =	sadd.s32 $0x400, s6;
	[sflag:s7] =	ssyncset.done $0x0  }
.LBB2_2:
0x17: {  	s14 =	sshra.s32 s12, $0x2  }
0x18: {  	[sflag:s7] =	ssyncadd.s32 $0xFFFFE000;
	s12 =	smov.u32 s13;
	s15 =	sadd.s32 $0x200, s13  }
0x19: {  	[tilespmem:s9], [sflag:$0x1] =	stream.indirect.gather [hbm4b:s3+s8], $0x40, s14, s8, $0xb8;
	[tilespmem:$0x2D00] =	vst v63  }
0x1a: {  	p0 =	sne.s32 s13, $0x3200;
	_ =	swait.ge [sflag:s7], $0x2000  }
.Ltmp0:
0x1b: {  	[sflag:s7] =	ssyncset.done $0x0;
	(pc) =	sbr.rel @p0 .LBB2_2-.Ltmp0, $4  }
0x1c: {  	[sflag:s7] =	ssyncadd.s32 $0xFFFFE000  }
0x1d: {  	[hbm4b:s11+s2] =	stream.linear.scatter [tilespmem:s9], [sflag:$0x1], $0x2000, $0x38;
	[tilespmem:$0x2D00] =	vst v63  }
0x1e: {  	_ =	swait.ge [sflag:s7], $0x2000  }
0x1f: {  	s13 =	smov.u32 s15;
	s11 =	sadd.s32 $0x400, s11;
	[sflag:s7] =	ssyncset.done $0x0  }
0x20: {  	s12 =	sshra.s32 s12, $0x2;
	[sflag:s7] =	ssyncadd.s32 $0xFFFFE000  }
0x21: {  	[tilespmem:s9], [sflag:$0x1] =	stream.indirect.gather [hbm4b:s3+s8], $0x40, s12, s8, $0xb8;
	[tilespmem:$0x2D00] =	vst v63  }
0x22: {  	s10 =	sadd.s32 $0x1, s10;
	_ =	swait.ge [sflag:s7], $0x2000  }
0x23: {  	p0 =	sne.s32 s10, s5;
	[sflag:s7] =	ssyncset.done $0x0  }
.Ltmp1:
0x24: {  	[sflag:s7] =	ssyncadd.s32 $0xFFFFE000;
	(pc) =	sbr.rel @p0 .LBB2_1-.Ltmp1, $4  }
0x25: {  	[hbm4b:s11+s2] =	stream.linear.scatter [tilespmem:s9], [sflag:$0x1], $0x2000, $0x38;
	[tilespmem:$0x2D00] =	vst v63  }
0x26: {  	_ =	swait.ge [sflag:s7], $0x2000  }
0x27: {  	[sflag:s7] =	ssyncset.done $0x0  }
0x28: {  	[sflag:s7] =	ssyncadd.s32 $0xFFFFE000  }
0x29: {  	_ =	sfence.sel $0x180000  }
0x2a: {  	[bflag:$0x0] =	sbarrier.arrive $0xFFFF  }
0x2b: {  	p0 =	sne.s32 s1, $0x0;
	_ =	strace $0x90000047  }
0x2c: {  	s0 =	sadd.s32 @!p0 $0x100000, s0;
	[bflag:$0x2] =	sbarrier.arrive $0xFFFF  }
0x2d: {  	[sflag:s0] =	ssyncadd.tile.s32 @!p0 $0x1;
	_ =	shalt  }
.Lfunc_end2:
_tile_overlayer_lowered:
.L_overlay_start_2:
0x2e: {  	(tag) =	ssettag $0x2  }
0x2f: {  	s0 =	rddreg [dreg:$0x0];
	s2 =	stileid.u32  }
0x30: {  	s1 =	rddreg [dreg:$0x1];
	p0 =	sne.s32 s2, $0x0  }
0x31: {  	s3 =	rddreg [dreg:$0x2];
	[bflag:$0x3] =	sbarrier.arrive $0xFFFF;
	s2 =	simm.s32 @!p0 $0x1C01  }
0x32: {  	[timem:s3], [sflag:s2] =	dma.local @!p0 [hbm:s0], s1  }
0x33: {  	s0 =	simm.s32 @!p0 $0x1  }
0x34: {  	_ =	swait.ge @!p0 [sflag:s0], s1  }
0x35: {  	s1 =	ssub.s32 @!p0 $0x0, s1;
	[sflag:s0] =	ssyncset.done @!p0 $0x0  }
0x36: {  	[sflag:s0] =	ssyncadd.s32 @!p0 s1  }
0x37: {  	[bflag:$0x3] =	sbarrier.arrive $0xFFFF  }
0x38: {  	_ =	shalt  }

</sc_bundles>
